<compile_context>
chip_gen: v7x
topology: tpu7x:2x2x1
jax: 0.10.2.dev20260603
libtpu: 0.0.44.dev20260713+nightly
codegen_flags: <defaults>
</compile_context>

<pallas_src>
import functools

import jax
import jax.numpy as jnp
from jax import lax
from jax.experimental import pallas as pl
from jax.experimental.pallas import tpu as pltpu
from jax.experimental.pallas import tpu_sc as plsc

B = 16384
D = 16
NC = 2
NS = 16
NW = NC * NS
BPW = B // NW

_mesh = plsc.VectorSubcoreMesh(core_axis_name="c", subcore_axis_name="s")


@functools.partial(
    pl.kernel,
    mesh=_mesh,
    out_type=jax.ShapeDtypeStruct((B,), jnp.float32),
    scratch_types=[
        pltpu.VMEM((BPW,), jnp.int32),
        pltpu.VMEM((BPW,), jnp.int32),
        pltpu.VMEM((BPW, D), jnp.float32),
        pltpu.VMEM((BPW, D), jnp.float32),
        pltpu.VMEM((BPW, D), jnp.float32),
        pltpu.VMEM((BPW, D), jnp.float32),
        pltpu.VMEM((48,), jnp.float32),
        pltpu.VMEM((16 * D,), jnp.float32),
        pltpu.VMEM((BPW,), jnp.float32),
        pltpu.SemaphoreType.DMA,
    ],
    compiler_params=pltpu.CompilerParams(
        needs_layout_passes=False, use_tc_tiling_on_sc=False
    ),
)
def _gmf_sc(u_hbm, it_hbm, u1_hbm, i1_hbm, u2_hbm, i2_hbm, wb_hbm, out_hbm,
            uidx, iidx, r1u, r1i, r2u, r2i, wv, tmpv, outv, sem):
    wid = lax.axis_index("s") * NC + lax.axis_index("c")
    base = wid * BPW

    pltpu.sync_copy(u_hbm.at[pl.ds(base, BPW)], uidx)
    pltpu.sync_copy(it_hbm.at[pl.ds(base, BPW)], iidx)
    pltpu.sync_copy(wb_hbm, wv)

    cp1 = pltpu.async_copy(u1_hbm.at[uidx], r1u, sem)
    cp2 = pltpu.async_copy(i1_hbm.at[iidx], r1i, sem)
    cp3 = pltpu.async_copy(u2_hbm.at[uidx], r2u, sem)
    cp4 = pltpu.async_copy(i2_hbm.at[iidx], r2i, sem)
    cp1.wait()
    cp2.wait()
    cp3.wait()
    cp4.wait()

    w0v = wv[pl.ds(0, 16)]
    w1v = wv[pl.ds(16, 16)]
    bv = wv[pl.ds(2 * D, 16)]
    colidx = lax.iota(jnp.int32, 16) * D

    def body(g, carry):
        gb = g * 16
        for j in range(16):
            v = (r1u[gb + j] * r1i[gb + j] * w0v
                 + r2u[gb + j] * r2i[gb + j] * w1v)
            tmpv[pl.ds(j * D, 16)] = v
        acc = bv
        for d in range(D):
            acc = acc + plsc.load_gather(tmpv, [colidx + d])
        outv[pl.ds(gb, 16)] = jnp.maximum(acc, 0.0)
        return carry

    lax.fori_loop(0, BPW // 16, body, 0)

    pltpu.sync_copy(outv, out_hbm.at[pl.ds(base, BPW)])


@jax.jit
def kernel(user_inputs, item_inputs, U1, I1, U2, I2, W, b):
    wb = jnp.concatenate([W.reshape(-1), jnp.broadcast_to(b, (16,))])
    out = _gmf_sc(user_inputs, item_inputs, U1, I1, U2, I2, wb)
    return out.reshape(B, 1)

# --- scband reference (transcript-rebuilt; emitter-appended) ---
"""Pipeline reference for scband-gmf-fed-31748398252659 (READ-ONLY COPY).

The authoritative reference and input builder live on the scoring server;
editing this copy changes nothing except your own understanding.
"""

import jax, jax.numpy as jnp
import numpy as np

USER_NUM = 100000
ITEM_NUM = 1000000
B = 16384
D = 16  # Layers[0]


def setup_inputs(seed: int = 0) -> dict:
    key = jax.random.key(seed)
    ks = jax.random.split(key, 8)
    return {
        "user_inputs": jax.random.randint(ks[0], (B,), 0, USER_NUM, dtype=jnp.int32),
        "item_inputs": jax.random.randint(ks[1], (B,), 0, ITEM_NUM, dtype=jnp.int32),
        "U1": jax.random.normal(ks[2], (USER_NUM, D), dtype=jnp.float32) * 0.01,
        "I1": jax.random.normal(ks[3], (ITEM_NUM, D), dtype=jnp.float32) * 0.01,
        "U2": jax.random.normal(ks[4], (USER_NUM, D), dtype=jnp.float32) * 0.01,
        "I2": jax.random.normal(ks[5], (ITEM_NUM, D), dtype=jnp.float32) * 0.01,
        "W": jax.random.normal(ks[6], (1, 2 * D), dtype=jnp.float32) * 0.1,
        "b": jnp.zeros((1,), dtype=jnp.float32),
    }


def reference(user_inputs, item_inputs, U1, I1, U2, I2, W, b):
    # embedding lookups (gather)
    gmf1_user = jnp.take(U1, user_inputs, axis=0)
    gmf1_item = jnp.take(I1, item_inputs, axis=0)
    gmf2_user = jnp.take(U2, user_inputs, axis=0)
    gmf2_item = jnp.take(I2, item_inputs, axis=0)
    fed_user = jnp.concatenate((gmf1_user, gmf2_user), axis=1)
    fed_item = jnp.concatenate((gmf1_item, gmf2_item), axis=1)
    embedding_vec = fed_user * fed_item
    pred = embedding_vec @ W.T + b
    outputs = jax.nn.relu(pred)
    return outputs

if __name__ == "__main__":
    import jax
    _d = setup_inputs()
    print(jax.jit(kernel)(*tuple(_d.values())))

</pallas_src>

<mosaic_0001>
#map = affine_map<(d0, d1) -> (0)>
#map1 = affine_map<(d0, d1) -> (0, 0)>
module attributes {stable_mosaic.version = 14 : i64} {
  func.func @_gmf_sc(%arg0: i32, %arg1: i32, %arg2: memref<16384xi32, #tpu.memory_space<hbm>>, %arg3: memref<16384xi32, #tpu.memory_space<hbm>>, %arg4: memref<100000x16xf32, #tpu.memory_space<hbm>>, %arg5: memref<1000000x16xf32, #tpu.memory_space<hbm>>, %arg6: memref<100000x16xf32, #tpu.memory_space<hbm>>, %arg7: memref<1000000x16xf32, #tpu.memory_space<hbm>>, %arg8: memref<48xf32, #tpu.memory_space<hbm>>, %arg9: memref<16384xf32, #tpu.memory_space<hbm>>, %arg10: memref<512xi32, #tpu.memory_space<vmem>>, %arg11: memref<512xi32, #tpu.memory_space<vmem>>, %arg12: memref<512x16xf32, #tpu.memory_space<vmem>>, %arg13: memref<512x16xf32, #tpu.memory_space<vmem>>, %arg14: memref<512x16xf32, #tpu.memory_space<vmem>>, %arg15: memref<512x16xf32, #tpu.memory_space<vmem>>, %arg16: memref<48xf32, #tpu.memory_space<vmem>>, %arg17: memref<256xf32, #tpu.memory_space<vmem>>, %arg18: memref<512xf32, #tpu.memory_space<vmem>>, %arg19: memref<!tpu.dma_semaphore, #tpu.memory_space<semaphore_mem>>) attributes {dimension_semantics = [#tpu.dimension_semantics<core_parallel>, #tpu.dimension_semantics<subcore_parallel>], iteration_bounds = array<i64: 2, 16>, scalar_prefetch = 0 : i64, scratch_operands = 10 : i64, tpu.core_type = #tpu.core_type<sc_vector_subcore>, window_params = [{transform_indices = #map}, {transform_indices = #map}, {transform_indices = #map1}, {transform_indices = #map1}, {transform_indices = #map1}, {transform_indices = #map1}, {transform_indices = #map}, {transform_indices = #map}]} {
    %mul3A = arith.constant 2 : i32
    %mul3A_0 = arith.muli %arg1, %mul3A : i32
    %add3A = arith.addi %mul3A_0, %arg0 : i32
    %mul3A_1 = arith.constant 512 : i32
    %mul3A_2 = arith.muli %add3A, %mul3A_1 : i32
    "tpu.region"() ({
      %run_scoped3A = tpu.sem_alloc : memref<!tpu.dma_semaphore, #tpu.memory_space<semaphore_mem>>
      %dma_start3A_38 = tpu.memref_slice %arg2[%mul3A_2] : memref<16384xi32, #tpu.memory_space<hbm>> -> memref<512xi32, #tpu.memory_space<hbm>>
      %dma_start3A_39 = tpu.memref_slice %arg2[%mul3A_2] : memref<16384xi32, #tpu.memory_space<hbm>> -> memref<512xi32, #tpu.memory_space<hbm>>
      tpu.enqueue_dma source(%dma_start3A_39 : memref<512xi32, #tpu.memory_space<hbm>>) target(%arg10 : memref<512xi32, #tpu.memory_space<vmem>>) target_semaphore(%run_scoped3A : memref<!tpu.dma_semaphore, #tpu.memory_space<semaphore_mem>>)
      %dma_wait3A_40 = tpu.memref_slice %arg2[%mul3A_2] : memref<16384xi32, #tpu.memory_space<hbm>> -> memref<512xi32, #tpu.memory_space<hbm>>
      %dma_wait3A_41 = tpu.memref_slice %arg2[%mul3A_2] : memref<16384xi32, #tpu.memory_space<hbm>> -> memref<512xi32, #tpu.memory_space<hbm>>
      tpu.wait_dma2 semaphore(%run_scoped3A : memref<!tpu.dma_semaphore, #tpu.memory_space<semaphore_mem>>) src(%dma_wait3A_41 : memref<512xi32, #tpu.memory_space<hbm>>) dst(%arg10 : memref<512xi32, #tpu.memory_space<vmem>>)
      tpu.yield
    }) : () -> ()
    "tpu.region"() ({
      %run_scoped3A = tpu.sem_alloc : memref<!tpu.dma_semaphore, #tpu.memory_space<semaphore_mem>>
      %dma_start3A_38 = tpu.memref_slice %arg3[%mul3A_2] : memref<16384xi32, #tpu.memory_space<hbm>> -> memref<512xi32, #tpu.memory_space<hbm>>
      %dma_start3A_39 = tpu.memref_slice %arg3[%mul3A_2] : memref<16384xi32, #tpu.memory_space<hbm>> -> memref<512xi32, #tpu.memory_space<hbm>>
      tpu.enqueue_dma source(%dma_start3A_39 : memref<512xi32, #tpu.memory_space<hbm>>) target(%arg11 : memref<512xi32, #tpu.memory_space<vmem>>) target_semaphore(%run_scoped3A : memref<!tpu.dma_semaphore, #tpu.memory_space<semaphore_mem>>)
      %dma_wait3A_40 = tpu.memref_slice %arg3[%mul3A_2] : memref<16384xi32, #tpu.memory_space<hbm>> -> memref<512xi32, #tpu.memory_space<hbm>>
      %dma_wait3A_41 = tpu.memref_slice %arg3[%mul3A_2] : memref<16384xi32, #tpu.memory_space<hbm>> -> memref<512xi32, #tpu.memory_space<hbm>>
      tpu.wait_dma2 semaphore(%run_scoped3A : memref<!tpu.dma_semaphore, #tpu.memory_space<semaphore_mem>>) src(%dma_wait3A_41 : memref<512xi32, #tpu.memory_space<hbm>>) dst(%arg11 : memref<512xi32, #tpu.memory_space<vmem>>)
      tpu.yield
    }) : () -> ()
    "tpu.region"() ({
      %run_scoped3A = tpu.sem_alloc : memref<!tpu.dma_semaphore, #tpu.memory_space<semaphore_mem>>
      tpu.enqueue_dma source(%arg8 : memref<48xf32, #tpu.memory_space<hbm>>) target(%arg16 : memref<48xf32, #tpu.memory_space<vmem>>) target_semaphore(%run_scoped3A : memref<!tpu.dma_semaphore, #tpu.memory_space<semaphore_mem>>)
      tpu.wait_dma2 semaphore(%run_scoped3A : memref<!tpu.dma_semaphore, #tpu.memory_space<semaphore_mem>>) src(%arg8 : memref<48xf32, #tpu.memory_space<hbm>>) dst(%arg16 : memref<48xf32, #tpu.memory_space<vmem>>)
      tpu.yield
    }) : () -> ()
    %dma_start3A = arith.constant 0 : i32
    %dma_start3A_3 = arith.constant 0 : i32
    %dma_start3A_4 = tpu.memref_slice %arg4[%dma_start3A, %dma_start3A_3] : memref<100000x16xf32, #tpu.memory_space<hbm>> -> memref<100000x16xf32, #tpu.memory_space<hbm>>
    tpu.enqueue_indirect_dma source(%dma_start3A_4 : memref<100000x16xf32, #tpu.memory_space<hbm>>) target(%arg12 : memref<512x16xf32, #tpu.memory_space<vmem>>) offsets(%arg10 : memref<512xi32, #tpu.memory_space<vmem>>) semaphore(%arg19 : memref<!tpu.dma_semaphore, #tpu.memory_space<semaphore_mem>>)
    %dma_start3A_5 = arith.constant 0 : i32
    %dma_start3A_6 = arith.constant 0 : i32
    %dma_start3A_7 = tpu.memref_slice %arg5[%dma_start3A_5, %dma_start3A_6] : memref<1000000x16xf32, #tpu.memory_space<hbm>> -> memref<1000000x16xf32, #tpu.memory_space<hbm>>
    tpu.enqueue_indirect_dma source(%dma_start3A_7 : memref<1000000x16xf32, #tpu.memory_space<hbm>>) target(%arg13 : memref<512x16xf32, #tpu.memory_space<vmem>>) offsets(%arg11 : memref<512xi32, #tpu.memory_space<vmem>>) semaphore(%arg19 : memref<!tpu.dma_semaphore, #tpu.memory_space<semaphore_mem>>)
    %dma_start3A_8 = arith.constant 0 : i32
    %dma_start3A_9 = arith.constant 0 : i32
    %dma_start3A_10 = tpu.memref_slice %arg6[%dma_start3A_8, %dma_start3A_9] : memref<100000x16xf32, #tpu.memory_space<hbm>> -> memref<100000x16xf32, #tpu.memory_space<hbm>>
    tpu.enqueue_indirect_dma source(%dma_start3A_10 : memref<100000x16xf32, #tpu.memory_space<hbm>>) target(%arg14 : memref<512x16xf32, #tpu.memory_space<vmem>>) offsets(%arg10 : memref<512xi32, #tpu.memory_space<vmem>>) semaphore(%arg19 : memref<!tpu.dma_semaphore, #tpu.memory_space<semaphore_mem>>)
    %dma_start3A_11 = arith.constant 0 : i32
    %dma_start3A_12 = arith.constant 0 : i32
    %dma_start3A_13 = tpu.memref_slice %arg7[%dma_start3A_11, %dma_start3A_12] : memref<1000000x16xf32, #tpu.memory_space<hbm>> -> memref<1000000x16xf32, #tpu.memory_space<hbm>>
    tpu.enqueue_indirect_dma source(%dma_start3A_13 : memref<1000000x16xf32, #tpu.memory_space<hbm>>) target(%arg15 : memref<512x16xf32, #tpu.memory_space<vmem>>) offsets(%arg11 : memref<512xi32, #tpu.memory_space<vmem>>) semaphore(%arg19 : memref<!tpu.dma_semaphore, #tpu.memory_space<semaphore_mem>>)
    %dma_wait3A = arith.constant 0 : i32
    %dma_wait3A_14 = arith.constant 0 : i32
    %dma_wait3A_15 = tpu.memref_slice %arg4[%dma_wait3A, %dma_wait3A_14] : memref<100000x16xf32, #tpu.memory_space<hbm>> -> memref<100000x16xf32, #tpu.memory_space<hbm>>
    tpu.wait_indirect_dma semaphore(%arg19 : memref<!tpu.dma_semaphore, #tpu.memory_space<semaphore_mem>>) src(%dma_wait3A_15 : memref<100000x16xf32, #tpu.memory_space<hbm>>) dst(%arg12 : memref<512x16xf32, #tpu.memory_space<vmem>>)
    %dma_wait3A_16 = arith.constant 0 : i32
    %dma_wait3A_17 = arith.constant 0 : i32
    %dma_wait3A_18 = tpu.memref_slice %arg5[%dma_wait3A_16, %dma_wait3A_17] : memref<1000000x16xf32, #tpu.memory_space<hbm>> -> memref<1000000x16xf32, #tpu.memory_space<hbm>>
    tpu.wait_indirect_dma semaphore(%arg19 : memref<!tpu.dma_semaphore, #tpu.memory_space<semaphore_mem>>) src(%dma_wait3A_18 : memref<1000000x16xf32, #tpu.memory_space<hbm>>) dst(%arg13 : memref<512x16xf32, #tpu.memory_space<vmem>>)
    %dma_wait3A_19 = arith.constant 0 : i32
    %dma_wait3A_20 = arith.constant 0 : i32
    %dma_wait3A_21 = tpu.memref_slice %arg6[%dma_wait3A_19, %dma_wait3A_20] : memref<100000x16xf32, #tpu.memory_space<hbm>> -> memref<100000x16xf32, #tpu.memory_space<hbm>>
    tpu.wait_indirect_dma semaphore(%arg19 : memref<!tpu.dma_semaphore, #tpu.memory_space<semaphore_mem>>) src(%dma_wait3A_21 : memref<100000x16xf32, #tpu.memory_space<hbm>>) dst(%arg14 : memref<512x16xf32, #tpu.memory_space<vmem>>)
    %dma_wait3A_22 = arith.constant 0 : i32
    %dma_wait3A_23 = arith.constant 0 : i32
    %dma_wait3A_24 = tpu.memref_slice %arg7[%dma_wait3A_22, %dma_wait3A_23] : memref<1000000x16xf32, #tpu.memory_space<hbm>> -> memref<1000000x16xf32, #tpu.memory_space<hbm>>
    tpu.wait_indirect_dma semaphore(%arg19 : memref<!tpu.dma_semaphore, #tpu.memory_space<semaphore_mem>>) src(%dma_wait3A_24 : memref<1000000x16xf32, #tpu.memory_space<hbm>>) dst(%arg15 : memref<512x16xf32, #tpu.memory_space<vmem>>)
    %get3A = arith.constant 0 : index
    %get3A_25 = tpu.vector_load %arg16[%get3A] {strides = array<i32>} : memref<48xf32, #tpu.memory_space<vmem>>, vector<16xf32>,
    %get3A_26 = arith.constant 16 : index
    %get3A_27 = tpu.vector_load %arg16[%get3A_26] {strides = array<i32>} : memref<48xf32, #tpu.memory_space<vmem>>, vector<16xf32>,
    %get3A_28 = arith.constant 32 : index
    %get3A_29 = tpu.vector_load %arg16[%get3A_28] {strides = array<i32>} : memref<48xf32, #tpu.memory_space<vmem>>, vector<16xf32>,
    %iota3A = tpu.iota {dimensions = array<i32: 0>} : vector<16xi32>
    %mul3A_30 = arith.constant 16 : i32
    %mul3A_31 = vector.broadcast %mul3A_30 : i32 to vector<16xi32>
    %mul3A_32 = arith.muli %iota3A, %mul3A_31 : vector<16xi32>
    %scan3A = arith.constant 0 : i32
    %scan3A_33 = arith.constant 0 : i32
    %scan3A_34 = arith.constant 32 : i32
    %scan3A_35 = arith.addi %scan3A_33, %scan3A_34 : i32
    %scan3A_36 = arith.constant 1 : i32
    scf.for %scan3A_38 = %scan3A_33 to %scan3A_35 step %scan3A_36  : i32 {
      %mul3A_39 = arith.constant 16 : i32
      %mul3A_40 = arith.muli %scan3A_38, %mul3A_39 : i32
      %add3A_41 = arith.constant 0 : i32
      %add3A_42 = arith.addi %mul3A_40, %add3A_41 : i32
      %get3A_43 = arith.index_cast %add3A_42 : i32 to index
      %get3A_44 = arith.constant 0 : index
      %get3A_45 = tpu.vector_load %arg12[%get3A_43, %get3A_44] {strides = array<i32>} : memref<512x16xf32, #tpu.memory_space<vmem>>, vector<16xf32>,
      %add3A_46 = arith.constant 0 : i32
      %add3A_47 = arith.addi %mul3A_40, %add3A_46 : i32
      %get3A_48 = arith.index_cast %add3A_47 : i32 to index
      %get3A_49 = arith.constant 0 : index
      %get3A_50 = tpu.vector_load %arg13[%get3A_48, %get3A_49] {strides = array<i32>} : memref<512x16xf32, #tpu.memory_space<vmem>>, vector<16xf32>,
      %mul3A_51 = arith.mulf %get3A_45, %get3A_50 : vector<16xf32>
      %mul3A_52 = arith.mulf %mul3A_51, %get3A_25 : vector<16xf32>
      %add3A_53 = arith.constant 0 : i32
      %add3A_54 = arith.addi %mul3A_40, %add3A_53 : i32
      %get3A_55 = arith.index_cast %add3A_54 : i32 to index
      %get3A_56 = arith.constant 0 : index
      %get3A_57 = tpu.vector_load %arg14[%get3A_55, %get3A_56] {strides = array<i32>} : memref<512x16xf32, #tpu.memory_space<vmem>>, vector<16xf32>,
      %add3A_58 = arith.constant 0 : i32
      %add3A_59 = arith.addi %mul3A_40, %add3A_58 : i32
      %get3A_60 = arith.index_cast %add3A_59 : i32 to index
      %get3A_61 = arith.constant 0 : index
      %get3A_62 = tpu.vector_load %arg15[%get3A_60, %get3A_61] {strides = array<i32>} : memref<512x16xf32, #tpu.memory_space<vmem>>, vector<16xf32>,
      %mul3A_63 = arith.mulf %get3A_57, %get3A_62 : vector<16xf32>
      %mul3A_64 = arith.mulf %mul3A_63, %get3A_27 : vector<16xf32>
      %add3A_65 = arith.addf %mul3A_52, %mul3A_64 : vector<16xf32>
      %swap3A = arith.constant 0 : index
      %swap3A_66 = tpu.vector_load %arg17[%swap3A] {strides = array<i32>} : memref<256xf32, #tpu.memory_space<vmem>>, vector<16xf32>,
      tpu.vector_store %arg17[%swap3A], %add3A_65 {strides = array<i32>} : memref<256xf32, #tpu.memory_space<vmem>>, vector<16xf32>,
      %add3A_67 = arith.constant 1 : i32
      %add3A_68 = arith.addi %mul3A_40, %add3A_67 : i32
      %get3A_69 = arith.index_cast %add3A_68 : i32 to index
      %get3A_70 = arith.constant 0 : index
      %get3A_71 = tpu.vector_load %arg12[%get3A_69, %get3A_70] {strides = array<i32>} : memref<512x16xf32, #tpu.memory_space<vmem>>, vector<16xf32>,
      %add3A_72 = arith.constant 1 : i32
      %add3A_73 = arith.addi %mul3A_40, %add3A_72 : i32
      %get3A_74 = arith.index_cast %add3A_73 : i32 to index
      %get3A_75 = arith.constant 0 : index
      %get3A_76 = tpu.vector_load %arg13[%get3A_74, %get3A_75] {strides = array<i32>} : memref<512x16xf32, #tpu.memory_space<vmem>>, vector<16xf32>,
      %mul3A_77 = arith.mulf %get3A_71, %get3A_76 : vector<16xf32>
      %mul3A_78 = arith.mulf %mul3A_77, %get3A_25 : vector<16xf32>
      %add3A_79 = arith.constant 1 : i32
      %add3A_80 = arith.addi %mul3A_40, %add3A_79 : i32
      %get3A_81 = arith.index_cast %add3A_80 : i32 to index
      %get3A_82 = arith.constant 0 : index
      %get3A_83 = tpu.vector_load %arg14[%get3A_81, %get3A_82] {strides = array<i32>} : memref<512x16xf32, #tpu.memory_space<vmem>>, vector<16xf32>,
      %add3A_84 = arith.constant 1 : i32
      %add3A_85 = arith.addi %mul3A_40, %add3A_84 : i32
      %get3A_86 = arith.index_cast %add3A_85 : i32 to index
      %get3A_87 = arith.constant 0 : index
      %get3A_88 = tpu.vector_load %arg15[%get3A_86, %get3A_87] {strides = array<i32>} : memref<512x16xf32, #tpu.memory_space<vmem>>, vector<16xf32>,
      %mul3A_89 = arith.mulf %get3A_83, %get3A_88 : vector<16xf32>
      %mul3A_90 = arith.mulf %mul3A_89, %get3A_27 : vector<16xf32>
      %add3A_91 = arith.addf %mul3A_78, %mul3A_90 : vector<16xf32>
      %swap3A_92 = arith.constant 16 : index
      %swap3A_93 = tpu.vector_load %arg17[%swap3A_92] {strides = array<i32>} : memref<256xf32, #tpu.memory_space<vmem>>, vector<16xf32>,
      tpu.vector_store %arg17[%swap3A_92], %add3A_91 {strides = array<i32>} : memref<256xf32, #tpu.memory_space<vmem>>, vector<16xf32>,
      %add3A_94 = arith.constant 2 : i32
      %add3A_95 = arith.addi %mul3A_40, %add3A_94 : i32
      %get3A_96 = arith.index_cast %add3A_95 : i32 to index
      %get3A_97 = arith.constant 0 : index
      %get3A_98 = tpu.vector_load %arg12[%get3A_96, %get3A_97] {strides = array<i32>} : memref<512x16xf32, #tpu.memory_space<vmem>>, vector<16xf32>,
      %add3A_99 = arith.constant 2 : i32
      %add3A_100 = arith.addi %mul3A_40, %add3A_99 : i32
      %get3A_101 = arith.index_cast %add3A_100 : i32 to index
      %get3A_102 = arith.constant 0 : index
      %get3A_103 = tpu.vector_load %arg13[%get3A_101, %get3A_102] {strides = array<i32>} : memref<512x16xf32, #tpu.memory_space<vmem>>, vector<16xf32>,
      %mul3A_104 = arith.mulf %get3A_98, %get3A_103 : vector<16xf32>
      %mul3A_105 = arith.mulf %mul3A_104, %get3A_25 : vector<16xf32>
      %add3A_106 = arith.constant 2 : i32
      %add3A_107 = arith.addi %mul3A_40, %add3A_106 : i32
      %get3A_108 = arith.index_cast %add3A_107 : i32 to index
      %get3A_109 = arith.constant 0 : index
      %get3A_110 = tpu.vector_load %arg14[%get3A_108, %get3A_109] {strides = array<i32>} : memref<512x16xf32, #tpu.memory_space<vmem>>, vector<16xf32>,
      %add3A_111 = arith.constant 2 : i32
      %add3A_112 = arith.addi %mul3A_40, %add3A_111 : i32
      %get3A_113 = arith.index_cast %add3A_112 : i32 to index
      %get3A_114 = arith.constant 0 : index
      %get3A_115 = tpu.vector_load %arg15[%get3A_113, %get3A_114] {strides = array<i32>} : memref<512x16xf32, #tpu.memory_space<vmem>>, vector<16xf32>,
      %mul3A_116 = arith.mulf %get3A_110, %get3A_115 : vector<16xf32>
      %mul3A_117 = arith.mulf %mul3A_116, %get3A_27 : vector<16xf32>
      %add3A_118 = arith.addf %mul3A_105, %mul3A_117 : vector<16xf32>
      %swap3A_119 = arith.constant 32 : index
      %swap3A_120 = tpu.vector_load %arg17[%swap3A_119] {strides = array<i32>} : memref<256xf32, #tpu.memory_space<vmem>>, vector<16xf32>,
      tpu.vector_store %arg17[%swap3A_119], %add3A_118 {strides = array<i32>} : memref<256xf32, #tpu.memory_space<vmem>>, vector<16xf32>,
      %add3A_121 = arith.constant 3 : i32
      %add3A_122 = arith.addi %mul3A_40, %add3A_121 : i32
      %get3A_123 = arith.index_cast %add3A_122 : i32 to index
      %get3A_124 = arith.constant 0 : index
      %get3A_125 = tpu.vector_load %arg12[%get3A_123, %get3A_124] {strides = array<i32>} : memref<512x16xf32, #tpu.memory_space<vmem>>, vector<16xf32>,
      %add3A_126 = arith.constant 3 : i32
      %add3A_127 = arith.addi %mul3A_40, %add3A_126 : i32
      %get3A_128 = arith.index_cast %add3A_127 : i32 to index
      %get3A_129 = arith.constant 0 : index
      %get3A_130 = tpu.vector_load %arg13[%get3A_128, %get3A_129] {strides = array<i32>} : memref<512x16xf32, #tpu.memory_space<vmem>>, vector<16xf32>,
      %mul3A_131 = arith.mulf %get3A_125, %get3A_130 : vector<16xf32>
      %mul3A_132 = arith.mulf %mul3A_131, %get3A_25 : vector<16xf32>
      %add3A_133 = arith.constant 3 : i32
      %add3A_134 = arith.addi %mul3A_40, %add3A_133 : i32
      %get3A_135 = arith.index_cast %add3A_134 : i32 to index
      %get3A_136 = arith.constant 0 : index
      %get3A_137 = tpu.vector_load %arg14[%get3A_135, %get3A_136] {strides = array<i32>} : memref<512x16xf32, #tpu.memory_space<vmem>>, vector<16xf32>,
      %add3A_138 = arith.constant 3 : i32
      %add3A_139 = arith.addi %mul3A_40, %add3A_138 : i32
      %get3A_140 = arith.index_cast %add3A_139 : i32 to index
      %get3A_141 = arith.constant 0 : index
      %get3A_142 = tpu.vector_load %arg15[%get3A_140, %get3A_141] {strides = array<i32>} : memref<512x16xf32, #tpu.memory_space<vmem>>, vector<16xf32>,
      %mul3A_143 = arith.mulf %get3A_137, %get3A_142 : vector<16xf32>
      %mul3A_144 = arith.mulf %mul3A_143, %get3A_27 : vector<16xf32>
      %add3A_145 = arith.addf %mul3A_132, %mul3A_144 : vector<16xf32>
      %swap3A_146 = arith.constant 48 : index
      %swap3A_147 = tpu.vector_load %arg17[%swap3A_146] {strides = array<i32>} : memref<256xf32, #tpu.memory_space<vmem>>, vector<16xf32>,
      tpu.vector_store %arg17[%swap3A_146], %add3A_145 {strides = array<i32>} : memref<256xf32, #tpu.memory_space<vmem>>, vector<16xf32>,
      %add3A_148 = arith.constant 4 : i32
      %add3A_149 = arith.addi %mul3A_40, %add3A_148 : i32
      %get3A_150 = arith.index_cast %add3A_149 : i32 to index
      %get3A_151 = arith.constant 0 : index
      %get3A_152 = tpu.vector_load %arg12[%get3A_150, %get3A_151] {strides = array<i32>} : memref<512x16xf32, #tpu.memory_space<vmem>>, vector<16xf32>,
      %add3A_153 = arith.constant 4 : i32
      %add3A_154 = arith.addi %mul3A_40, %add3A_153 : i32
      %get3A_155 = arith.index_cast %add3A_154 : i32 to index
      %get3A_156 = arith.constant 0 : index
      %get3A_157 = tpu.vector_load %arg13[%get3A_155, %get3A_156] {strides = array<i32>} : memref<512x16xf32, #tpu.memory_space<vmem>>, vector<16xf32>,
      %mul3A_158 = arith.mulf %get3A_152, %get3A_157 : vector<16xf32>
      %mul3A_159 = arith.mulf %mul3A_158, %get3A_25 : vector<16xf32>
      %add3A_160 = arith.constant 4 : i32
      %add3A_161 = arith.addi %mul3A_40, %add3A_160 : i32
      %get3A_162 = arith.index_cast %add3A_161 : i32 to index
      %get3A_163 = arith.constant 0 : index
      %get3A_164 = tpu.vector_load %arg14[%get3A_162, %get3A_163] {strides = array<i32>} : memref<512x16xf32, #tpu.memory_space<vmem>>, vector<16xf32>,
      %add3A_165 = arith.constant 4 : i32
      %add3A_166 = arith.addi %mul3A_40, %add3A_165 : i32
      %get3A_167 = arith.index_cast %add3A_166 : i32 to index
      %get3A_168 = arith.constant 0 : index
      %get3A_169 = tpu.vector_load %arg15[%get3A_167, %get3A_168] {strides = array<i32>} : memref<512x16xf32, #tpu.memory_space<vmem>>, vector<16xf32>,
      %mul3A_170 = arith.mulf %get3A_164, %get3A_169 : vector<16xf32>
      %mul3A_171 = arith.mulf %mul3A_170, %get3A_27 : vector<16xf32>
      %add3A_172 = arith.addf %mul3A_159, %mul3A_171 : vector<16xf32>
      %swap3A_173 = arith.constant 64 : index
      %swap3A_174 = tpu.vector_load %arg17[%swap3A_173] {strides = array<i32>} : memref<256xf32, #tpu.memory_space<vmem>>, vector<16xf32>,
      tpu.vector_store %arg17[%swap3A_173], %add3A_172 {strides = array<i32>} : memref<256xf32, #tpu.memory_space<vmem>>, vector<16xf32>,
      %add3A_175 = arith.constant 5 : i32
      %add3A_176 = arith.addi %mul3A_40, %add3A_175 : i32
      %get3A_177 = arith.index_cast %add3A_176 : i32 to index
      %get3A_178 = arith.constant 0 : index
      %get3A_179 = tpu.vector_load %arg12[%get3A_177, %get3A_178] {strides = array<i32>} : memref<512x16xf32, #tpu.memory_space<vmem>>, vector<16xf32>,
      %add3A_180 = arith.constant 5 : i32
      %add3A_181 = arith.addi %mul3A_40, %add3A_180 : i32
      %get3A_182 = arith.index_cast %add3A_181 : i32 to index
      %get3A_183 = arith.constant 0 : index
      %get3A_184 = tpu.vector_load %arg13[%get3A_182, %get3A_183] {strides = array<i32>} : memref<512x16xf32, #tpu.memory_space<vmem>>, vector<16xf32>,
      %mul3A_185 = arith.mulf %get3A_179, %get3A_184 : vector<16xf32>
      %mul3A_186 = arith.mulf %mul3A_185, %get3A_25 : vector<16xf32>
      %add3A_187 = arith.constant 5 : i32
      %add3A_188 = arith.addi %mul3A_40, %add3A_187 : i32
      %get3A_189 = arith.index_cast %add3A_188 : i32 to index
      %get3A_190 = arith.constant 0 : index
      %get3A_191 = tpu.vector_load %arg14[%get3A_189, %get3A_190] {strides = array<i32>} : memref<512x16xf32, #tpu.memory_space<vmem>>, vector<16xf32>,
      %add3A_192 = arith.constant 5 : i32
      %add3A_193 = arith.addi %mul3A_40, %add3A_192 : i32
      %get3A_194 = arith.index_cast %add3A_193 : i32 to index
      %get3A_195 = arith.constant 0 : index
      %get3A_196 = tpu.vector_load %arg15[%get3A_194, %get3A_195] {strides = array<i32>} : memref<512x16xf32, #tpu.memory_space<vmem>>, vector<16xf32>,
      %mul3A_197 = arith.mulf %get3A_191, %get3A_196 : vector<16xf32>
      %mul3A_198 = arith.mulf %mul3A_197, %get3A_27 : vector<16xf32>
      %add3A_199 = arith.addf %mul3A_186, %mul3A_198 : vector<16xf32>
      %swap3A_200 = arith.constant 80 : index
      %swap3A_201 = tpu.vector_load %arg17[%swap3A_200] {strides = array<i32>} : memref<256xf32, #tpu.memory_space<vmem>>, vector<16xf32>,
      tpu.vector_store %arg17[%swap3A_200], %add3A_199 {strides = array<i32>} : memref<256xf32, #tpu.memory_space<vmem>>, vector<16xf32>,
      %add3A_202 = arith.constant 6 : i32
      %add3A_203 = arith.addi %mul3A_40, %add3A_202 : i32
      %get3A_204 = arith.index_cast %add3A_203 : i32 to index
      %get3A_205 = arith.constant 0 : index
      %get3A_206 = tpu.vector_load %arg12[%get3A_204, %get3A_205] {strides = array<i32>} : memref<512x16xf32, #tpu.memory_space<vmem>>, vector<16xf32>,
      %add3A_207 = arith.constant 6 : i32
      %add3A_208 = arith.addi %mul3A_40, %add3A_207 : i32
      %get3A_209 = arith.index_cast %add3A_208 : i32 to index
      %get3A_210 = arith.constant 0 : index
      %get3A_211 = tpu.vector_load %arg13[%get3A_209, %get3A_210] {strides = array<i32>} : memref<512x16xf32, #tpu.memory_space<vmem>>, vector<16xf32>,
      %mul3A_212 = arith.mulf %get3A_206, %get3A_211 : vector<16xf32>
      %mul3A_213 = arith.mulf %mul3A_212, %get3A_25 : vector<16xf32>
      %add3A_214 = arith.constant 6 : i32
      %add3A_215 = arith.addi %mul3A_40, %add3A_214 : i32
      %get3A_216 = arith.index_cast %add3A_215 : i32 to index
      %get3A_217 = arith.constant 0 : index
      %get3A_218 = tpu.vector_load %arg14[%get3A_216, %get3A_217] {strides = array<i32>} : memref<512x16xf32, #tpu.memory_space<vmem>>, vector<16xf32>,
      %add3A_219 = arith.constant 6 : i32
      %add3A_220 = arith.addi %mul3A_40, %add3A_219 : i32
      %get3A_221 = arith.index_cast %add3A_220 : i32 to index
      %get3A_222 = arith.constant 0 : index
      %get3A_223 = tpu.vector_load %arg15[%get3A_221, %get3A_222] {strides = array<i32>} : memref<512x16xf32, #tpu.memory_space<vmem>>, vector<16xf32>,
      %mul3A_224 = arith.mulf %get3A_218, %get3A_223 : vector<16xf32>
      %mul3A_225 = arith.mulf %mul3A_224, %get3A_27 : vector<16xf32>
      %add3A_226 = arith.addf %mul3A_213, %mul3A_225 : vector<16xf32>
      %swap3A_227 = arith.constant 96 : index
      %swap3A_228 = tpu.vector_load %arg17[%swap3A_227] {strides = array<i32>} : memref<256xf32, #tpu.memory_space<vmem>>, vector<16xf32>,
      tpu.vector_store %arg17[%swap3A_227], %add3A_226 {strides = array<i32>} : memref<256xf32, #tpu.memory_space<vmem>>, vector<16xf32>,
      %add3A_229 = arith.constant 7 : i32
      %add3A_230 = arith.addi %mul3A_40, %add3A_229 : i32
      %get3A_231 = arith.index_cast %add3A_230 : i32 to index
      %get3A_232 = arith.constant 0 : index
      %get3A_233 = tpu.vector_load %arg12[%get3A_231, %get3A_232] {strides = array<i32>} : memref<512x16xf32, #tpu.memory_space<vmem>>, vector<16xf32>,
      %add3A_234 = arith.constant 7 : i32
      %add3A_235 = arith.addi %mul3A_40, %add3A_234 : i32
      %get3A_236 = arith.index_cast %add3A_235 : i32 to index
      %get3A_237 = arith.constant 0 : index
      %get3A_238 = tpu.vector_load %arg13[%get3A_236, %get3A_237] {strides = array<i32>} : memref<512x16xf32, #tpu.memory_space<vmem>>, vector<16xf32>,
      %mul3A_239 = arith.mulf %get3A_233, %get3A_238 : vector<16xf32>
      %mul3A_240 = arith.mulf %mul3A_239, %get3A_25 : vector<16xf32>
      %add3A_241 = arith.constant 7 : i32
      %add3A_242 = arith.addi %mul3A_40, %add3A_241 : i32
      %get3A_243 = arith.index_cast %add3A_242 : i32 to index
      %get3A_244 = arith.constant 0 : index
      %get3A_245 = tpu.vector_load %arg14[%get3A_243, %get3A_244] {strides = array<i32>} : memref<512x16xf32, #tpu.memory_space<vmem>>, vector<16xf32>,
      %add3A_246 = arith.constant 7 : i32
      %add3A_247 = arith.addi %mul3A_40, %add3A_246 : i32
      %get3A_248 = arith.index_cast %add3A_247 : i32 to index
      %get3A_249 = arith.constant 0 : index
      %get3A_250 = tpu.vector_load %arg15[%get3A_248, %get3A_249] {strides = array<i32>} : memref<512x16xf32, #tpu.memory_space<vmem>>, vector<16xf32>,
      %mul3A_251 = arith.mulf %get3A_245, %get3A_250 : vector<16xf32>
      %mul3A_252 = arith.mulf %mul3A_251, %get3A_27 : vector<16xf32>
      %add3A_253 = arith.addf %mul3A_240, %mul3A_252 : vector<16xf32>
      %swap3A_254 = arith.constant 112 : index
      %swap3A_255 = tpu.vector_load %arg17[%swap3A_254] {strides = array<i32>} : memref<256xf32, #tpu.memory_space<vmem>>, vector<16xf32>,
      tpu.vector_store %arg17[%swap3A_254], %add3A_253 {strides = array<i32>} : memref<256xf32, #tpu.memory_space<vmem>>, vector<16xf32>,
      %add3A_256 = arith.constant 8 : i32
      %add3A_257 = arith.addi %mul3A_40, %add3A_256 : i32
      %get3A_258 = arith.index_cast %add3A_257 : i32 to index
      %get3A_259 = arith.constant 0 : index
      %get3A_260 = tpu.vector_load %arg12[%get3A_258, %get3A_259] {strides = array<i32>} : memref<512x16xf32, #tpu.memory_space<vmem>>, vector<16xf32>,
      %add3A_261 = arith.constant 8 : i32
      %add3A_262 = arith.addi %mul3A_40, %add3A_261 : i32
      %get3A_263 = arith.index_cast %add3A_262 : i32 to index
      %get3A_264 = arith.constant 0 : index
      %get3A_265 = tpu.vector_load %arg13[%get3A_263, %get3A_264] {strides = array<i32>} : memref<512x16xf32, #tpu.memory_space<vmem>>, vector<16xf32>,
      %mul3A_266 = arith.mulf %get3A_260, %get3A_265 : vector<16xf32>
      %mul3A_267 = arith.mulf %mul3A_266, %get3A_25 : vector<16xf32>
      %add3A_268 = arith.constant 8 : i32
      %add3A_269 = arith.addi %mul3A_40, %add3A_268 : i32
      %get3A_270 = arith.index_cast %add3A_269 : i32 to index
      %get3A_271 = arith.constant 0 : index
      %get3A_272 = tpu.vector_load %arg14[%get3A_270, %get3A_271] {strides = array<i32>} : memref<512x16xf32, #tpu.memory_space<vmem>>, vector<16xf32>,
      %add3A_273 = arith.constant 8 : i32
      %add3A_274 = arith.addi %mul3A_40, %add3A_273 : i32
      %get3A_275 = arith.index_cast %add3A_274 : i32 to index
      %get3A_276 = arith.constant 0 : index
      %get3A_277 = tpu.vector_load %arg15[%get3A_275, %get3A_276] {strides = array<i32>} : memref<512x16xf32, #tpu.memory_space<vmem>>, vector<16xf32>,
      %mul3A_278 = arith.mulf %get3A_272, %get3A_277 : vector<16xf32>
      %mul3A_279 = arith.mulf %mul3A_278, %get3A_27 : vector<16xf32>
      %add3A_280 = arith.addf %mul3A_267, %mul3A_279 : vector<16xf32>
      %swap3A_281 = arith.constant 128 : index
      %swap3A_282 = tpu.vector_load %arg17[%swap3A_281] {strides = array<i32>} : memref<256xf32, #tpu.memory_space<vmem>>, vector<16xf32>,
      tpu.vector_store %arg17[%swap3A_281], %add3A_280 {strides = array<i32>} : memref<256xf32, #tpu.memory_space<vmem>>, vector<16xf32>,
      %add3A_283 = arith.constant 9 : i32
      %add3A_284 = arith.addi %mul3A_40, %add3A_283 : i32
      %get3A_285 = arith.index_cast %add3A_284 : i32 to index
      %get3A_286 = arith.constant 0 : index
      %get3A_287 = tpu.vector_load %arg12[%get3A_285, %get3A_286] {strides = array<i32>} : memref<512x16xf32, #tpu.memory_space<vmem>>, vector<16xf32>,
      %add3A_288 = arith.constant 9 : i32
      %add3A_289 = arith.addi %mul3A_40, %add3A_288 : i32
      %get3A_290 = arith.index_cast %add3A_289 : i32 to index
      %get3A_291 = arith.constant 0 : index
      %get3A_292 = tpu.vector_load %arg13[%get3A_290, %get3A_291] {strides = array<i32>} : memref<512x16xf32, #tpu.memory_space<vmem>>, vector<16xf32>,
      %mul3A_293 = arith.mulf %get3A_287, %get3A_292 : vector<16xf32>
      %mul3A_294 = arith.mulf %mul3A_293, %get3A_25 : vector<16xf32>
      %add3A_295 = arith.constant 9 : i32
      %add3A_296 = arith.addi %mul3A_40, %add3A_295 : i32
      %get3A_297 = arith.index_cast %add3A_296 : i32 to index
      %get3A_298 = arith.constant 0 : index
      %get3A_299 = tpu.vector_load %arg14[%get3A_297, %get3A_298] {strides = array<i32>} : memref<512x16xf32, #tpu.memory_space<vmem>>, vector<16xf32>,
      %add3A_300 = arith.constant 9 : i32
      %add3A_301 = arith.addi %mul3A_40, %add3A_300 : i32
      %get3A_302 = arith.index_cast %add3A_301 : i32 to index
      %get3A_303 = arith.constant 0 : index
      %get3A_304 = tpu.vector_load %arg15[%get3A_302, %get3A_303] {strides = array<i32>} : memref<512x16xf32, #tpu.memory_space<vmem>>, vector<16xf32>,
      %mul3A_305 = arith.mulf %get3A_299, %get3A_304 : vector<16xf32>
      %mul3A_306 = arith.mulf %mul3A_305, %get3A_27 : vector<16xf32>
      %add3A_307 = arith.addf %mul3A_294, %mul3A_306 : vector<16xf32>
      %swap3A_308 = arith.constant 144 : index
      %swap3A_309 = tpu.vector_load %arg17[%swap3A_308] {strides = array<i32>} : memref<256xf32, #tpu.memory_space<vmem>>, vector<16xf32>,
      tpu.vector_store %arg17[%swap3A_308], %add3A_307 {strides = array<i32>} : memref<256xf32, #tpu.memory_space<vmem>>, vector<16xf32>,
      %add3A_310 = arith.constant 10 : i32
      %add3A_311 = arith.addi %mul3A_40, %add3A_310 : i32
      %get3A_312 = arith.index_cast %add3A_311 : i32 to index
      %get3A_313 = arith.constant 0 : index
      %get3A_314 = tpu.vector_load %arg12[%get3A_312, %get3A_313] {strides = array<i32>} : memref<512x16xf32, #tpu.memory_space<vmem>>, vector<16xf32>,
      %add3A_315 = arith.constant 10 : i32
      %add3A_316 = arith.addi %mul3A_40, %add3A_315 : i32
      %get3A_317 = arith.index_cast %add3A_316 : i32 to index
      %get3A_318 = arith.constant 0 : index
      %get3A_319 = tpu.vector_load %arg13[%get3A_317, %get3A_318] {strides = array<i32>} : memref<512x16xf32, #tpu.memory_space<vmem>>, vector<16xf32>,
      %mul3A_320 = arith.mulf %get3A_314, %get3A_319 : vector<16xf32>
      %mul3A_321 = arith.mulf %mul3A_320, %get3A_25 : vector<16xf32>
      %add3A_322 = arith.constant 10 : i32
      %add3A_323 = arith.addi %mul3A_40, %add3A_322 : i32
      %get3A_324 = arith.index_cast %add3A_323 : i32 to index
      %get3A_325 = arith.constant 0 : index
      %get3A_326 = tpu.vector_load %arg14[%get3A_324, %get3A_325] {strides = array<i32>} : memref<512x16xf32, #tpu.memory_space<vmem>>, vector<16xf32>,
      %add3A_327 = arith.constant 10 : i32
      %add3A_328 = arith.addi %mul3A_40, %add3A_327 : i32
      %get3A_329 = arith.index_cast %add3A_328 : i32 to index
      %get3A_330 = arith.constant 0 : index
      %get3A_331 = tpu.vector_load %arg15[%get3A_329, %get3A_330] {strides = array<i32>} : memref<512x16xf32, #tpu.memory_space<vmem>>, vector<16xf32>,
      %mul3A_332 = arith.mulf %get3A_326, %get3A_331 : vector<16xf32>
      %mul3A_333 = arith.mulf %mul3A_332, %get3A_27 : vector<16xf32>
      %add3A_334 = arith.addf %mul3A_321, %mul3A_333 : vector<16xf32>
      %swap3A_335 = arith.constant 160 : index
      %swap3A_336 = tpu.vector_load %arg17[%swap3A_335] {strides = array<i32>} : memref<256xf32, #tpu.memory_space<vmem>>, vector<16xf32>,
      tpu.vector_store %arg17[%swap3A_335], %add3A_334 {strides = array<i32>} : memref<256xf32, #tpu.memory_space<vmem>>, vector<16xf32>,
      %add3A_337 = arith.constant 11 : i32
      %add3A_338 = arith.addi %mul3A_40, %add3A_337 : i32
      %get3A_339 = arith.index_cast %add3A_338 : i32 to index
      %get3A_340 = arith.constant 0 : index
      %get3A_341 = tpu.vector_load %arg12[%get3A_339, %get3A_340] {strides = array<i32>} : memref<512x16xf32, #tpu.memory_space<vmem>>, vector<16xf32>,
      %add3A_342 = arith.constant 11 : i32
      %add3A_343 = arith.addi %mul3A_40, %add3A_342 : i32
      %get3A_344 = arith.index_cast %add3A_343 : i32 to index
      %get3A_345 = arith.constant 0 : index
      %get3A_346 = tpu.vector_load %arg13[%get3A_344, %get3A_345] {strides = array<i32>} : memref<512x16xf32, #tpu.memory_space<vmem>>, vector<16xf32>,
      %mul3A_347 = arith.mulf %get3A_341, %get3A_346 : vector<16xf32>
      %mul3A_348 = arith.mulf %mul3A_347, %get3A_25 : vector<16xf32>
      %add3A_349 = arith.constant 11 : i32
      %add3A_350 = arith.addi %mul3A_40, %add3A_349 : i32
      %get3A_351 = arith.index_cast %add3A_350 : i32 to index
      %get3A_352 = arith.constant 0 : index
      %get3A_353 = tpu.vector_load %arg14[%get3A_351, %get3A_352] {strides = array<i32>} : memref<512x16xf32, #tpu.memory_space<vmem>>, vector<16xf32>,
      %add3A_354 = arith.constant 11 : i32
      %add3A_355 = arith.addi %mul3A_40, %add3A_354 : i32
      %get3A_356 = arith.index_cast %add3A_355 : i32 to index
      %get3A_357 = arith.constant 0 : index
      %get3A_358 = tpu.vector_load %arg15[%get3A_356, %get3A_357] {strides = array<i32>} : memref<512x16xf32, #tpu.memory_space<vmem>>, vector<16xf32>,
      %mul3A_359 = arith.mulf %get3A_353, %get3A_358 : vector<16xf32>
      %mul3A_360 = arith.mulf %mul3A_359, %get3A_27 : vector<16xf32>
      %add3A_361 = arith.addf %mul3A_348, %mul3A_360 : vector<16xf32>
      %swap3A_362 = arith.constant 176 : index
      %swap3A_363 = tpu.vector_load %arg17[%swap3A_362] {strides = array<i32>} : memref<256xf32, #tpu.memory_space<vmem>>, vector<16xf32>,
      tpu.vector_store %arg17[%swap3A_362], %add3A_361 {strides = array<i32>} : memref<256xf32, #tpu.memory_space<vmem>>, vector<16xf32>,
      %add3A_364 = arith.constant 12 : i32
      %add3A_365 = arith.addi %mul3A_40, %add3A_364 : i32
      %get3A_366 = arith.index_cast %add3A_365 : i32 to index
      %get3A_367 = arith.constant 0 : index
      %get3A_368 = tpu.vector_load %arg12[%get3A_366, %get3A_367] {strides = array<i32>} : memref<512x16xf32, #tpu.memory_space<vmem>>, vector<16xf32>,
      %add3A_369 = arith.constant 12 : i32
      %add3A_370 = arith.addi %mul3A_40, %add3A_369 : i32
      %get3A_371 = arith.index_cast %add3A_370 : i32 to index
      %get3A_372 = arith.constant 0 : index
      %get3A_373 = tpu.vector_load %arg13[%get3A_371, %get3A_372] {strides = array<i32>} : memref<512x16xf32, #tpu.memory_space<vmem>>, vector<16xf32>,
      %mul3A_374 = arith.mulf %get3A_368, %get3A_373 : vector<16xf32>
      %mul3A_375 = arith.mulf %mul3A_374, %get3A_25 : vector<16xf32>
      %add3A_376 = arith.constant 12 : i32
      %add3A_377 = arith.addi %mul3A_40, %add3A_376 : i32
      %get3A_378 = arith.index_cast %add3A_377 : i32 to index
      %get3A_379 = arith.constant 0 : index
      %get3A_380 = tpu.vector_load %arg14[%get3A_378, %get3A_379] {strides = array<i32>} : memref<512x16xf32, #tpu.memory_space<vmem>>, vector<16xf32>,
      %add3A_381 = arith.constant 12 : i32
      %add3A_382 = arith.addi %mul3A_40, %add3A_381 : i32
      %get3A_383 = arith.index_cast %add3A_382 : i32 to index
      %get3A_384 = arith.constant 0 : index
      %get3A_385 = tpu.vector_load %arg15[%get3A_383, %get3A_384] {strides = array<i32>} : memref<512x16xf32, #tpu.memory_space<vmem>>, vector<16xf32>,
      %mul3A_386 = arith.mulf %get3A_380, %get3A_385 : vector<16xf32>
      %mul3A_387 = arith.mulf %mul3A_386, %get3A_27 : vector<16xf32>
      %add3A_388 = arith.addf %mul3A_375, %mul3A_387 : vector<16xf32>
      %swap3A_389 = arith.constant 192 : index
      %swap3A_390 = tpu.vector_load %arg17[%swap3A_389] {strides = array<i32>} : memref<256xf32, #tpu.memory_space<vmem>>, vector<16xf32>,
      tpu.vector_store %arg17[%swap3A_389], %add3A_388 {strides = array<i32>} : memref<256xf32, #tpu.memory_space<vmem>>, vector<16xf32>,
      %add3A_391 = arith.constant 13 : i32
      %add3A_392 = arith.addi %mul3A_40, %add3A_391 : i32
      %get3A_393 = arith.index_cast %add3A_392 : i32 to index
      %get3A_394 = arith.constant 0 : index
      %get3A_395 = tpu.vector_load %arg12[%get3A_393, %get3A_394] {strides = array<i32>} : memref<512x16xf32, #tpu.memory_space<vmem>>, vector<16xf32>,
      %add3A_396 = arith.constant 13 : i32
      %add3A_397 = arith.addi %mul3A_40, %add3A_396 : i32
      %get3A_398 = arith.index_cast %add3A_397 : i32 to index
      %get3A_399 = arith.constant 0 : index
      %get3A_400 = tpu.vector_load %arg13[%get3A_398, %get3A_399] {strides = array<i32>} : memref<512x16xf32, #tpu.memory_space<vmem>>, vector<16xf32>,
      %mul3A_401 = arith.mulf %get3A_395, %get3A_400 : vector<16xf32>
      %mul3A_402 = arith.mulf %mul3A_401, %get3A_25 : vector<16xf32>
      %add3A_403 = arith.constant 13 : i32
      %add3A_404 = arith.addi %mul3A_40, %add3A_403 : i32
      %get3A_405 = arith.index_cast %add3A_404 : i32 to index
      %get3A_406 = arith.constant 0 : index
      %get3A_407 = tpu.vector_load %arg14[%get3A_405, %get3A_406] {strides = array<i32>} : memref<512x16xf32, #tpu.memory_space<vmem>>, vector<16xf32>,
      %add3A_408 = arith.constant 13 : i32
      %add3A_409 = arith.addi %mul3A_40, %add3A_408 : i32
      %get3A_410 = arith.index_cast %add3A_409 : i32 to index
      %get3A_411 = arith.constant 0 : index
      %get3A_412 = tpu.vector_load %arg15[%get3A_410, %get3A_411] {strides = array<i32>} : memref<512x16xf32, #tpu.memory_space<vmem>>, vector<16xf32>,
      %mul3A_413 = arith.mulf %get3A_407, %get3A_412 : vector<16xf32>
      %mul3A_414 = arith.mulf %mul3A_413, %get3A_27 : vector<16xf32>
      %add3A_415 = arith.addf %mul3A_402, %mul3A_414 : vector<16xf32>
      %swap3A_416 = arith.constant 208 : index
      %swap3A_417 = tpu.vector_load %arg17[%swap3A_416] {strides = array<i32>} : memref<256xf32, #tpu.memory_space<vmem>>, vector<16xf32>,
      tpu.vector_store %arg17[%swap3A_416], %add3A_415 {strides = array<i32>} : memref<256xf32, #tpu.memory_space<vmem>>, vector<16xf32>,
      %add3A_418 = arith.constant 14 : i32
      %add3A_419 = arith.addi %mul3A_40, %add3A_418 : i32
      %get3A_420 = arith.index_cast %add3A_419 : i32 to index
      %get3A_421 = arith.constant 0 : index
      %get3A_422 = tpu.vector_load %arg12[%get3A_420, %get3A_421] {strides = array<i32>} : memref<512x16xf32, #tpu.memory_space<vmem>>, vector<16xf32>,
      %add3A_423 = arith.constant 14 : i32
      %add3A_424 = arith.addi %mul3A_40, %add3A_423 : i32
      %get3A_425 = arith.index_cast %add3A_424 : i32 to index
      %get3A_426 = arith.constant 0 : index
      %get3A_427 = tpu.vector_load %arg13[%get3A_425, %get3A_426] {strides = array<i32>} : memref<512x16xf32, #tpu.memory_space<vmem>>, vector<16xf32>,
      %mul3A_428 = arith.mulf %get3A_422, %get3A_427 : vector<16xf32>
      %mul3A_429 = arith.mulf %mul3A_428, %get3A_25 : vector<16xf32>
      %add3A_430 = arith.constant 14 : i32
      %add3A_431 = arith.addi %mul3A_40, %add3A_430 : i32
      %get3A_432 = arith.index_cast %add3A_431 : i32 to index
      %get3A_433 = arith.constant 0 : index
      %get3A_434 = tpu.vector_load %arg14[%get3A_432, %get3A_433] {strides = array<i32>} : memref<512x16xf32, #tpu.memory_space<vmem>>, vector<16xf32>,
      %add3A_435 = arith.constant 14 : i32
      %add3A_436 = arith.addi %mul3A_40, %add3A_435 : i32
      %get3A_437 = arith.index_cast %add3A_436 : i32 to index
      %get3A_438 = arith.constant 0 : index
      %get3A_439 = tpu.vector_load %arg15[%get3A_437, %get3A_438] {strides = array<i32>} : memref<512x16xf32, #tpu.memory_space<vmem>>, vector<16xf32>,
      %mul3A_440 = arith.mulf %get3A_434, %get3A_439 : vector<16xf32>
      %mul3A_441 = arith.mulf %mul3A_440, %get3A_27 : vector<16xf32>
      %add3A_442 = arith.addf %mul3A_429, %mul3A_441 : vector<16xf32>
      %swap3A_443 = arith.constant 224 : index
      %swap3A_444 = tpu.vector_load %arg17[%swap3A_443] {strides = array<i32>} : memref<256xf32, #tpu.memory_space<vmem>>, vector<16xf32>,
      tpu.vector_store %arg17[%swap3A_443], %add3A_442 {strides = array<i32>} : memref<256xf32, #tpu.memory_space<vmem>>, vector<16xf32>,
      %add3A_445 = arith.constant 15 : i32
      %add3A_446 = arith.addi %mul3A_40, %add3A_445 : i32
      %get3A_447 = arith.index_cast %add3A_446 : i32 to index
      %get3A_448 = arith.constant 0 : index
      %get3A_449 = tpu.vector_load %arg12[%get3A_447, %get3A_448] {strides = array<i32>} : memref<512x16xf32, #tpu.memory_space<vmem>>, vector<16xf32>,
      %add3A_450 = arith.constant 15 : i32
      %add3A_451 = arith.addi %mul3A_40, %add3A_450 : i32
      %get3A_452 = arith.index_cast %add3A_451 : i32 to index
      %get3A_453 = arith.constant 0 : index
      %get3A_454 = tpu.vector_load %arg13[%get3A_452, %get3A_453] {strides = array<i32>} : memref<512x16xf32, #tpu.memory_space<vmem>>, vector<16xf32>,
      %mul3A_455 = arith.mulf %get3A_449, %get3A_454 : vector<16xf32>
      %mul3A_456 = arith.mulf %mul3A_455, %get3A_25 : vector<16xf32>
      %add3A_457 = arith.constant 15 : i32
      %add3A_458 = arith.addi %mul3A_40, %add3A_457 : i32
      %get3A_459 = arith.index_cast %add3A_458 : i32 to index
      %get3A_460 = arith.constant 0 : index
      %get3A_461 = tpu.vector_load %arg14[%get3A_459, %get3A_460] {strides = array<i32>} : memref<512x16xf32, #tpu.memory_space<vmem>>, vector<16xf32>,
      %add3A_462 = arith.constant 15 : i32
      %add3A_463 = arith.addi %mul3A_40, %add3A_462 : i32
      %get3A_464 = arith.index_cast %add3A_463 : i32 to index
      %get3A_465 = arith.constant 0 : index
      %get3A_466 = tpu.vector_load %arg15[%get3A_464, %get3A_465] {strides = array<i32>} : memref<512x16xf32, #tpu.memory_space<vmem>>, vector<16xf32>,
      %mul3A_467 = arith.mulf %get3A_461, %get3A_466 : vector<16xf32>
      %mul3A_468 = arith.mulf %mul3A_467, %get3A_27 : vector<16xf32>
      %add3A_469 = arith.addf %mul3A_456, %mul3A_468 : vector<16xf32>
      %swap3A_470 = arith.constant 240 : index
      %swap3A_471 = tpu.vector_load %arg17[%swap3A_470] {strides = array<i32>} : memref<256xf32, #tpu.memory_space<vmem>>, vector<16xf32>,
      tpu.vector_store %arg17[%swap3A_470], %add3A_469 {strides = array<i32>} : memref<256xf32, #tpu.memory_space<vmem>>, vector<16xf32>,
      %add3A_472 = arith.constant 0 : i32
      %add3A_473 = vector.broadcast %add3A_472 : i32 to vector<16xi32>
      %add3A_474 = arith.addi %mul3A_32, %add3A_473 : vector<16xi32>
      %gather3A = tpu.vector_load_idx %arg17[%add3A_474] : memref<256xf32, #tpu.memory_space<vmem>>[vector<16xi32>], vector<16xf32>,
      %add3A_475 = arith.addf %get3A_29, %gather3A : vector<16xf32>
      %add3A_476 = arith.constant 1 : i32
      %add3A_477 = vector.broadcast %add3A_476 : i32 to vector<16xi32>
      %add3A_478 = arith.addi %mul3A_32, %add3A_477 : vector<16xi32>
      %gather3A_479 = tpu.vector_load_idx %arg17[%add3A_478] : memref<256xf32, #tpu.memory_space<vmem>>[vector<16xi32>], vector<16xf32>,
      %add3A_480 = arith.addf %add3A_475, %gather3A_479 : vector<16xf32>
      %add3A_481 = arith.constant 2 : i32
      %add3A_482 = vector.broadcast %add3A_481 : i32 to vector<16xi32>
      %add3A_483 = arith.addi %mul3A_32, %add3A_482 : vector<16xi32>
      %gather3A_484 = tpu.vector_load_idx %arg17[%add3A_483] : memref<256xf32, #tpu.memory_space<vmem>>[vector<16xi32>], vector<16xf32>,
      %add3A_485 = arith.addf %add3A_480, %gather3A_484 : vector<16xf32>
      %add3A_486 = arith.constant 3 : i32
      %add3A_487 = vector.broadcast %add3A_486 : i32 to vector<16xi32>
      %add3A_488 = arith.addi %mul3A_32, %add3A_487 : vector<16xi32>
      %gather3A_489 = tpu.vector_load_idx %arg17[%add3A_488] : memref<256xf32, #tpu.memory_space<vmem>>[vector<16xi32>], vector<16xf32>,
      %add3A_490 = arith.addf %add3A_485, %gather3A_489 : vector<16xf32>
      %add3A_491 = arith.constant 4 : i32
      %add3A_492 = vector.broadcast %add3A_491 : i32 to vector<16xi32>
      %add3A_493 = arith.addi %mul3A_32, %add3A_492 : vector<16xi32>
      %gather3A_494 = tpu.vector_load_idx %arg17[%add3A_493] : memref<256xf32, #tpu.memory_space<vmem>>[vector<16xi32>], vector<16xf32>,
      %add3A_495 = arith.addf %add3A_490, %gather3A_494 : vector<16xf32>
      %add3A_496 = arith.constant 5 : i32
      %add3A_497 = vector.broadcast %add3A_496 : i32 to vector<16xi32>
      %add3A_498 = arith.addi %mul3A_32, %add3A_497 : vector<16xi32>
      %gather3A_499 = tpu.vector_load_idx %arg17[%add3A_498] : memref<256xf32, #tpu.memory_space<vmem>>[vector<16xi32>], vector<16xf32>,
      %add3A_500 = arith.addf %add3A_495, %gather3A_499 : vector<16xf32>
      %add3A_501 = arith.constant 6 : i32
      %add3A_502 = vector.broadcast %add3A_501 : i32 to vector<16xi32>
      %add3A_503 = arith.addi %mul3A_32, %add3A_502 : vector<16xi32>
      %gather3A_504 = tpu.vector_load_idx %arg17[%add3A_503] : memref<256xf32, #tpu.memory_space<vmem>>[vector<16xi32>], vector<16xf32>,
      %add3A_505 = arith.addf %add3A_500, %gather3A_504 : vector<16xf32>
      %add3A_506 = arith.constant 7 : i32
      %add3A_507 = vector.broadcast %add3A_506 : i32 to vector<16xi32>
      %add3A_508 = arith.addi %mul3A_32, %add3A_507 : vector<16xi32>
      %gather3A_509 = tpu.vector_load_idx %arg17[%add3A_508] : memref<256xf32, #tpu.memory_space<vmem>>[vector<16xi32>], vector<16xf32>,
      %add3A_510 = arith.addf %add3A_505, %gather3A_509 : vector<16xf32>
      %add3A_511 = arith.constant 8 : i32
      %add3A_512 = vector.broadcast %add3A_511 : i32 to vector<16xi32>
      %add3A_513 = arith.addi %mul3A_32, %add3A_512 : vector<16xi32>
      %gather3A_514 = tpu.vector_load_idx %arg17[%add3A_513] : memref<256xf32, #tpu.memory_space<vmem>>[vector<16xi32>], vector<16xf32>,
      %add3A_515 = arith.addf %add3A_510, %gather3A_514 : vector<16xf32>
      %add3A_516 = arith.constant 9 : i32
      %add3A_517 = vector.broadcast %add3A_516 : i32 to vector<16xi32>
      %add3A_518 = arith.addi %mul3A_32, %add3A_517 : vector<16xi32>
      %gather3A_519 = tpu.vector_load_idx %arg17[%add3A_518] : memref<256xf32, #tpu.memory_space<vmem>>[vector<16xi32>], vector<16xf32>,
      %add3A_520 = arith.addf %add3A_515, %gather3A_519 : vector<16xf32>
      %add3A_521 = arith.constant 10 : i32
      %add3A_522 = vector.broadcast %add3A_521 : i32 to vector<16xi32>
      %add3A_523 = arith.addi %mul3A_32, %add3A_522 : vector<16xi32>
      %gather3A_524 = tpu.vector_load_idx %arg17[%add3A_523] : memref<256xf32, #tpu.memory_space<vmem>>[vector<16xi32>], vector<16xf32>,
      %add3A_525 = arith.addf %add3A_520, %gather3A_524 : vector<16xf32>
      %add3A_526 = arith.constant 11 : i32
      %add3A_527 = vector.broadcast %add3A_526 : i32 to vector<16xi32>
      %add3A_528 = arith.addi %mul3A_32, %add3A_527 : vector<16xi32>
      %gather3A_529 = tpu.vector_load_idx %arg17[%add3A_528] : memref<256xf32, #tpu.memory_space<vmem>>[vector<16xi32>], vector<16xf32>,
      %add3A_530 = arith.addf %add3A_525, %gather3A_529 : vector<16xf32>
      %add3A_531 = arith.constant 12 : i32
      %add3A_532 = vector.broadcast %add3A_531 : i32 to vector<16xi32>
      %add3A_533 = arith.addi %mul3A_32, %add3A_532 : vector<16xi32>
      %gather3A_534 = tpu.vector_load_idx %arg17[%add3A_533] : memref<256xf32, #tpu.memory_space<vmem>>[vector<16xi32>], vector<16xf32>,
      %add3A_535 = arith.addf %add3A_530, %gather3A_534 : vector<16xf32>
      %add3A_536 = arith.constant 13 : i32
      %add3A_537 = vector.broadcast %add3A_536 : i32 to vector<16xi32>
      %add3A_538 = arith.addi %mul3A_32, %add3A_537 : vector<16xi32>
      %gather3A_539 = tpu.vector_load_idx %arg17[%add3A_538] : memref<256xf32, #tpu.memory_space<vmem>>[vector<16xi32>], vector<16xf32>,
      %add3A_540 = arith.addf %add3A_535, %gather3A_539 : vector<16xf32>
      %add3A_541 = arith.constant 14 : i32
      %add3A_542 = vector.broadcast %add3A_541 : i32 to vector<16xi32>
      %add3A_543 = arith.addi %mul3A_32, %add3A_542 : vector<16xi32>
      %gather3A_544 = tpu.vector_load_idx %arg17[%add3A_543] : memref<256xf32, #tpu.memory_space<vmem>>[vector<16xi32>], vector<16xf32>,
      %add3A_545 = arith.addf %add3A_540, %gather3A_544 : vector<16xf32>
      %add3A_546 = arith.constant 15 : i32
      %add3A_547 = vector.broadcast %add3A_546 : i32 to vector<16xi32>
      %add3A_548 = arith.addi %mul3A_32, %add3A_547 : vector<16xi32>
      %gather3A_549 = tpu.vector_load_idx %arg17[%add3A_548] : memref<256xf32, #tpu.memory_space<vmem>>[vector<16xi32>], vector<16xf32>,
      %add3A_550 = arith.addf %add3A_545, %gather3A_549 : vector<16xf32>
      %max3A = arith.constant 0.000000e+00 : f32
      %max3A_551 = vector.broadcast %max3A : f32 to vector<16xf32>
      %max3A_552 = arith.maximumf %add3A_550, %max3A_551 : vector<16xf32>
      %swap3A_553 = arith.index_cast %mul3A_40 : i32 to index
      %swap3A_554 = tpu.vector_load %arg18[%swap3A_553] {strides = array<i32>} : memref<512xf32, #tpu.memory_space<vmem>>, vector<16xf32>,
      tpu.vector_store %arg18[%swap3A_553], %max3A_552 {strides = array<i32>} : memref<512xf32, #tpu.memory_space<vmem>>, vector<16xf32>,
    }
    %scan3A_37 = arith.constant 32 : i32
    "tpu.region"() ({
      %run_scoped3A = tpu.sem_alloc : memref<!tpu.dma_semaphore, #tpu.memory_space<semaphore_mem>>
      %dma_start3A_38 = tpu.memref_slice %arg9[%mul3A_2] : memref<16384xf32, #tpu.memory_space<hbm>> -> memref<512xf32, #tpu.memory_space<hbm>>
      %dma_start3A_39 = tpu.memref_slice %arg9[%mul3A_2] : memref<16384xf32, #tpu.memory_space<hbm>> -> memref<512xf32, #tpu.memory_space<hbm>>
      tpu.enqueue_dma source(%arg18 : memref<512xf32, #tpu.memory_space<vmem>>) target(%dma_start3A_39 : memref<512xf32, #tpu.memory_space<hbm>>) target_semaphore(%run_scoped3A : memref<!tpu.dma_semaphore, #tpu.memory_space<semaphore_mem>>)
      %dma_wait3A_40 = tpu.memref_slice %arg9[%mul3A_2] : memref<16384xf32, #tpu.memory_space<hbm>> -> memref<512xf32, #tpu.memory_space<hbm>>
      %dma_wait3A_41 = tpu.memref_slice %arg9[%mul3A_2] : memref<16384xf32, #tpu.memory_space<hbm>> -> memref<512xf32, #tpu.memory_space<hbm>>
      tpu.wait_dma2 semaphore(%run_scoped3A : memref<!tpu.dma_semaphore, #tpu.memory_space<semaphore_mem>>) src(%arg18 : memref<512xf32, #tpu.memory_space<vmem>>) dst(%dma_wait3A_41 : memref<512xf32, #tpu.memory_space<hbm>>)
      tpu.yield
    }) : () -> ()
    return
  }
}

</mosaic_0001>

<sc_bundles>
// kernel: kernel.3.cloned.1.call-start
scs
__scs_entry_jumppad:
0x0: {  	(pc) =	sbr.rel $0x88, $3  }
0x1: {  	(tag) =	ssettag $0x0;
	lr =	simm.s32 $0x1  }
0x2: {  	[smem:$0x3F99] =	sst lr;
	_ =	strace $0xD0000000  }
0x3: {  	_ = 	snop  }
0x4: {  	_ = 	snop  }
0x5: {  	_ = 	snop  }
0x6: {  	_ = 	snop  }
0x7: {  	_ = 	snop  }
__scs_overlays_trampoline_lowered:
0x8: {  	[smem:$0x3FA8] =	sst s0  }
0x9: {  	[smem:$0x3FA9] =	sst s1  }
0xa: {  	[smem:$0x3FAA] =	sst s2  }
0xb: {  	[smem:$0x3FAB] =	sst s3  }
0xc: {  	[smem:$0x3FAC] =	sst s4  }
0xd: {  	[smem:$0x3FAD] =	sst s5  }
0xe: {  	[smem:$0x3FAE] =	sst s6  }
0xf: {  	[smem:$0x3FAF] =	sst s7  }
0x10: {  	[smem:$0x3FB0] =	sst s8  }
0x11: {  	[smem:$0x3FB1] =	sst s9;
	s0 =	simm.s32 @!p0 $0x0  }
0x12: {  	s1 =	sld [smem:$0x3F97];
	s0 =	simm.s32 @p0 $0x1  }
0x13: {  	[smem:$0x3FB2] =	sst s0;
	s0 =	simm.s32 @!p1 $0x0  }
0x14: {  	s2 =	sld [smem:$0x3F96];
	s0 =	simm.s32 @p1 $0x1  }
0x15: {  	[smem:$0x3FB3] =	sst s0;
	s0 =	simm.s32 @!p2 $0x0  }
0x16: {  	s3 =	sld [smem:$0x3FDB];
	s0 =	simm.s32 @p2 $0x1  }
0x17: {  	s4 =	simm.s32 $0x1BF5;
	[smem:$0x3FB5] =	sst s0  }
0x18: {  	s0 =	sld [smem:$0x3F98];
	_ =	swait.ge [sflag:s4], $0x0  }
0x19: {  	s7 =	sld [smem:$0x3F99]  }
0x1a: {  	s8 =	sadd.s32 $0xFFFFE003, lr  }
0x1b: {  	s9 =	sadd.s32 $0xFFFFFEF7, lr;
	s5 =	simm.s32 $0xFFFFFFFF;
	p2 =	slt.u32 s8, $0xFFFFF086  }
0x1c: {  	p1 =	slt.u32 s9, $0xF7A;
	s5 =	simm.s32 @!p2 $0x0  }
0x1d: {  	s5 =	simm.s32 @p1 $0x1;
	p0 =	seq.s32 s7, s2  }
0x1e: {  	s7 =	smul.u32 @!p0 $0xF7A, s2;
	p2 =	seq.s32 @!p0 s5, $0x0  }
0x1f: {  	s9 =	smul.u32 $0xF7A, s1;
	s8 =	simm.s32 @!p0 $0x1BF5;
	p2 =	por !p2, p0  }
0x20: {  	[sflag:s8] =	ssyncset.s32 @!p0 $0xFFFFF086;
	s6 =	sadd.s32 @!p0 s3, s7;
	s7 =	simm.s32 @!p0 $0x108  }
0x21: {  	s3 =	sadd.s32 s3, s9;
	s6 =	sadd.s32 @!p0 $0x88, s6;
	s7 =	simm.s32 @p2 $0x1082  }
0x22: {  	[simem:s7], [sflag:s8] =	dma.local @!p0 [hbm:s6], $0xF7A  }
0x23: {  	s9 =	sor.u32 $0xD0000000, s2;
	s6 =	simm.s32 $0x108;
	_ =	swait.ge @!p0 [sflag:s8], $0x0  }
0x24: {  	s3 =	sadd.s32 $0x88, s3;
	s6 =	simm.s32 @!p1 $0x1082;
	[sflag:s4] =	ssyncset.s32 $0xFFFFF086  }
0x25: {  	[simem:s6], [sflag:s4] =	dma.local [hbm:s3], $0xF7A  }
0x26: {  	[smem:$0x3F99] =	sst s1;
	(tag) =	ssettag s2;
	_ =	strace s9  }
0x27: {  	s1 =	sld [smem:$0x3FA9]  }
0x28: {  	s2 =	sld [smem:$0x3FAA]  }
0x29: {  	s4 =	sld [smem:$0x3FAC]  }
0x2a: {  	p0 =	seq.s32 s5, $0x0;
	s5 =	sld [smem:$0x3FAD]  }
0x2b: {  	s6 =	sld [smem:$0x3FAE]  }
0x2c: {  	s7 =	sld [smem:$0x3FAF]  }
0x2d: {  	s3 =	simm.s32 $0x108;
	s8 =	sld [smem:$0x3FB0]  }
0x2e: {  	s3 =	simm.s32 @!p0 $0x1082;
	s9 =	sld [smem:$0x3FB1]  }
0x2f: {  	lr =	sadd.s32 s0, s3;
	s0 =	sld [smem:$0x3FA8]  }
0x30: {  	s3 =	sld [smem:$0x3FAB]  }
0x31: {  	[smem:$0x3FB4] =	sst s10  }
0x32: {  	s10 =	sld [smem:$0x3FB2];
	_ =	sdelay $0x3  }
0x33: {  	p0 =	seq.s32 s10, $0x1;
	s10 =	sld [smem:$0x3FB4];
	_ =	sdelay $0x3  }
0x34: {  	[smem:$0x3FB4] =	sst s10  }
0x35: {  	s10 =	sld [smem:$0x3FB3];
	_ =	sdelay $0x3  }
0x36: {  	p1 =	seq.s32 s10, $0x1;
	s10 =	sld [smem:$0x3FB4];
	_ =	sdelay $0x3  }
0x37: {  	[smem:$0x3FB4] =	sst s10  }
0x38: {  	s10 =	sld [smem:$0x3FB5]  }
0x39: {  	_ = 	snop;
	(pc) =	sbr.ind lr, $3  }
0x3a: {  	_ = 	snop  }
0x3b: {  	_ = 	snop  }
0x3c: {  	p2 =	seq.s32 s10, $0x1;
	s10 =	sld [smem:$0x3FB4]  }
0x3d: {  	_ =	shalt  }
0x3e: {  	_ =	shalt  }
0x3f: {  	_ =	shalt  }
0x40: {  	_ =	shalt  }
0x41: {  	_ =	shalt  }
0x42: {  	_ =	shalt  }
0x43: {  	_ =	shalt  }
0x44: {  	_ =	shalt  }
0x45: {  	_ =	shalt  }
0x46: {  	_ =	shalt  }
0x47: {  	_ =	shalt  }
0x48: {  	_ =	shalt  }
0x49: {  	_ =	shalt  }
0x4a: {  	_ =	shalt  }
0x4b: {  	_ =	shalt  }
0x4c: {  	_ =	shalt  }
0x4d: {  	_ =	shalt  }
0x4e: {  	_ =	shalt  }
0x4f: {  	_ =	shalt  }
0x50: {  	_ =	shalt  }
0x51: {  	_ =	shalt  }
0x52: {  	_ =	shalt  }
0x53: {  	_ =	shalt  }
0x54: {  	_ =	shalt  }
0x55: {  	_ =	shalt  }
0x56: {  	_ =	shalt  }
0x57: {  	_ =	shalt  }
0x58: {  	_ =	shalt  }
0x59: {  	_ =	shalt  }
0x5a: {  	_ =	shalt  }
0x5b: {  	_ =	shalt  }
0x5c: {  	_ =	shalt  }
0x5d: {  	_ =	shalt  }
0x5e: {  	_ =	shalt  }
0x5f: {  	_ =	shalt  }
0x60: {  	_ =	shalt  }
0x61: {  	_ =	shalt  }
0x62: {  	_ =	shalt  }
0x63: {  	_ =	shalt  }
0x64: {  	_ =	shalt  }
0x65: {  	_ =	shalt  }
0x66: {  	_ =	shalt  }
0x67: {  	_ =	shalt  }
0x68: {  	_ =	shalt  }
0x69: {  	_ =	shalt  }
0x6a: {  	_ =	shalt  }
0x6b: {  	_ =	shalt  }
0x6c: {  	_ =	shalt  }
0x6d: {  	_ =	shalt  }
0x6e: {  	_ =	shalt  }
0x6f: {  	_ =	shalt  }
0x70: {  	_ =	shalt  }
0x71: {  	_ =	shalt  }
0x72: {  	_ =	shalt  }
0x73: {  	_ =	shalt  }
0x74: {  	_ =	shalt  }
0x75: {  	_ =	shalt  }
0x76: {  	_ =	shalt  }
0x77: {  	_ =	shalt  }
0x78: {  	_ =	shalt  }
0x79: {  	_ =	shalt  }
0x7a: {  	_ =	shalt  }
0x7b: {  	_ =	shalt  }
0x7c: {  	_ =	shalt  }
0x7d: {  	_ =	shalt  }
0x7e: {  	_ =	shalt  }
0x7f: {  	_ =	shalt  }
0x80: {  	_ =	shalt  }
0x81: {  	_ =	shalt  }
0x82: {  	_ =	shalt  }
0x83: {  	_ =	shalt  }
0x84: {  	_ =	shalt  }
0x85: {  	_ =	shalt  }
0x86: {  	_ =	shalt  }
0x87: {  	_ =	shalt  }
.Lfunc_end0:
.L_simem_size_0:
called_computation_lowered:
.L_overlay_start_0:
0x88: {  	s2 =	sld [smem:$0x3FD9]  }
0x89: {  	s3 =	sld [smem:$0x3FFE];
	_ =	sdelay $0x1  }
0x8a: {  	s1 =	srdreg.scid  }
0x8b: {  	s0 =	sand.u32 $0x1, s1  }
0x8c: {  	s17 =	sshll.u32 s0, $0xA;
	s2 =	sadd.s32 s3, s2  }
0x8d: {  	s2 =	sadd.s32 s2, s17  }
0x8e: {  	[smem:$0x3FC0] =	sst s2  }
0x8f: {  	_ = 	snop  }
0x90: {  	s2 =	sld [smem:$0x3FC9]  }
0x91: {  	s18 =	sld [smem:$0x3FC8]  }
0x92: {  	s4 =	sld [smem:$0x3FD0];
	(tm) =	ssettm $0x1  }
0x93: {  	s5 =	sld [smem:$0x3FFB];
	_ =	sdelay $0x3  }
0x94: {  	_ =	strace s5  }
0x95: {  	s5 =	sld [smem:$0x3FFC];
	_ =	sdelay $0x3  }
0x96: {  	_ =	strace s5  }
0x97: {  	s5 =	sld [smem:$0x3FFD];
	_ =	sdelay $0x3  }
0x98: {  	_ =	strace s5  }
0x99: {  	_ =	strace $0x8FFFFFFF  }
0x9a: {  	s19 =	sld [smem:$0x3FDB];
	_ =	sdelay $0x1  }
0x9b: {  	s6 =	simm.s32 $_scs_section_size  }
0x9c: {  	s7 =	simm.s32 $_size__tile_overlayer_lowered;
	s8 =	simm.s32 $_tile_overlayer_lowered  }
0x9d: {  	s22 =	simm.s32 $0x1BFF;
	s21 =	sshll.u32 s8, $0x1;
	s5 =	sadd.s32 s6, s19  }
0x9e: {  	s9 =	simm.s32 $0x0;
	s20 =	sshll.u32 s7, $0x1;
	s7 =	sadd.s32 s21, s5  }
0x9f: {  	[timem:s9], [sflag:s22] =	dma.local [hbm:s7], s20  }
0xa0: {  	_ =	swait.ge [sflag:s22], s20  }
0xa1: {  	s6 =	ssub.s32 $0x0, s20;
	[sflag:s22] =	ssyncset.done $0x0  }
0xa2: {  	[sflag:s22] =	ssyncadd.s32 s6;
	_ =	sdelay $0x1  }
0xa3: {  	s23 =	simm.s32 $0x1B8B  }
0xa4: {  	_ =	swait.ge [sflag:s23], $0x1  }
0xa5: {  	[sflag:s23] =	ssyncset.done $0x0  }
0xa6: {  	s25 =	simm.s32 $0x1B8E;
	s24 =	sld [smem:$0x3FFE];
	[sflag:s23] =	ssyncadd.s32 $0xFFFFFFFF  }
0xa7: {  	s26 =	simm.s32 $execute0_lowered;
	[smem:$0x3FD2] =	sst s25  }
0xa8: {  	s7 =	sshll.u32 s26, $0x1;
	_ =	strace $0x80000046;
	[dreg:$0x1] =	wrdreg $0xFFFFFFFF  }
0xa9: {  	s28 =	simm.s32 $_size_execute0_lowered;
	s5 =	sadd.s32 s5, s7;
	[dreg:$0x0] =	wrdreg $0x0  }
0xaa: {  	s7 =	sshll.u32 s28, $0x1;
	[dreg:$0x2] =	wrdreg s5  }
0xab: {  	[dreg:$0x3] =	wrdreg s7  }
0xac: {  	[dreg:$0x4] =	wrdreg $0xC0  }
0xad: {  	_ =	task [dreg:s9], $0x5FFFF  }
0xae: {  	[dreg:$0x1] =	wrdreg $0xFFFFFFFF  }
0xaf: {  	[dreg:$0x0] =	wrdreg $0x60  }
0xb0: {  	[dreg:$0x2] =	wrdreg s2  }
0xb1: {  	[dreg:$0x3] =	wrdreg s18  }
0xb2: {  	[dreg:$0x4] =	wrdreg s24  }
0xb3: {  	[dreg:$0x5] =	wrdreg s4  }
0xb4: {  	[dreg:$0x6] =	wrdreg $0x9  }
0xb5: {  	_ =	task.clear_ibuf [dreg:s9], $0x7FFFF;
	_ =	strace $0x90000046  }
0xb6: {  	s29 =	simm.s32 $0x9;
	_ =	strace $0x80000048  }
0xb7: {  	_ =	swait.ge [sflag:s29], $0x1  }
0xb8: {  	[sflag:s29] =	ssyncadd.s32 $0xFFFFFFFF  }
0xb9: {  	_ =	strace $0x90000048  }
0xba: {  	_ =	sfence  }
0xbb: {  	s30 =	sld [smem:$0x0];
	_ =	sdelay $0x2  }
0xbc: {  	s31 =	sshll.u32 s1, $0xD;
	s1 =	sshrl.u32 s1, $0x2  }
0xbd: {  	s3 =	sand.u32 $0x4000, s31;
	s1 =	sadd.s32 s1, s30  }
0xbe: {  	s0 =	sor.u32 s3, s0;
	s1 =	sshll.u32 s1, $0x11  }
0xbf: {  	s0 =	sor.u32 s1, s0  }
0xc0: {  	s0 =	sadd.s32 $0x8F2B, s0  }
0xc1: {  	[sflag:s0] =	ssyncadd.remote.s32 $0x1  }
0xc2: {  	_ =	sfence.sel $0xFFFF  }
0xc3: {  	[dreg:$0x0] =	wrdreg $0xFFFFFFFF;
	(pc) =	sbr.abs _section_cstart, $3  }
0xc4: {  	[dreg:$0x1] =	wrdreg $0xFFFFFFFF  }
0xc5: {  	_ =	task.clear_ibuf [dreg:s9], $0x2FFFF;
	_ =	strace $0x9FFFFFFF  }
0xc6: {  	(tm) =	ssettm $0x7FFFFFFF  }
0xc7: {  	_ =	shalt  }
tec
execute0_lowered:
.L_overlay_start_1:
0x0: {  	(tag) =	ssettag $0x1  }
0x1: {  	s8 =	rddreg [dreg:$0x0]  }
0x2: {  	s9 =	rddreg [dreg:$0x1]  }
0x3: {  	s7 =	rddreg [dreg:$0x2]  }
0x4: {  	s10 =	rddreg [dreg:$0x3]  }
0x5: {  	s0 =	rddreg [dreg:$0x4];
	s1 =	simm.s32 $0x0;
	s3 =	srdreg.scid  }
0x6: {  	s15 =	simm.s32 $0x400;
	s16 =	simm.s32 $0x2400;
	s17 =	simm.s32 $0x4400  }
0x7: {  	s18 =	simm.s32 $0x6400;
	s19 =	simm.s32 $0x1;
	s20 =	simm.s32 $0x8430  }
0x8: {  	v0 =	vlaneseq.u32;
	s21 =	simm.s32 $0x8530;
	[smem:$0x7FF] =	sst s1;
	s2 =	sadd.s32 $0x1B8200, s7  }
0x9: {  	s22 =	simm.s32 $0x0;
	s4 =	sadd.s32 $0x112B400, s7;
	s5 =	sadd.s32 $0x187400, s7;
	v0 =	vmul.u32 $0x10, v0  }
0xa: {  	s11 =	sand.u32 $0x1, s3;
	s6 =	sadd.s32 $0xF42E00, s7;
	s3 =	stileid.u32  }
0xb: {  	s7 =	sadd.s32 $0xA00, s7;
	_ =	strace $0x80000047;
	s12 =	ssub.s32 $0x2, s11;
	v1 =	vor.u32 $0x1, v0;
	v2 =	vor.u32 $0x2, v0;
	v3 =	vor.u32 $0x3, v0  }
0xc: {  	s14 =	sshll.u32 s3, $0x7;
	s11 =	sshll.u32 s11, $0x6;
	s13 =	sshrl.u32 s12, $0x1;
	v4 =	vor.u32 $0x4, v0;
	v5 =	vor.u32 $0x5, v0;
	v6 =	vor.u32 $0x6, v0  }
0xd: {  	s11 =	sor.u32 s11, s14;
	s14 =	simm.s32 $0x8400;
	v7 =	vor.u32 $0x7, v0;
	v8 =	vor.u32 $0x8, v0;
	v9 =	vor.u32 $0x9, v0;
	s12 =	ssub.s32 s12, s13  }
0xe: {  	v10 =	vor.u32 $0xA, v0;
	v11 =	vor.u32 $0xB, v0;
	v12 =	vor.u32 $0xC, v0;
	s8 =	sadd.s32 s8, s11;
	s9 =	sadd.s32 s9, s11;
	s10 =	sadd.s32 s10, s11  }
0xf: {  	v13 =	vor.u32 $0xD, v0;
	v14 =	vor.u32 $0xE, v0;
	v15 =	vor.u32 $0xF, v0;
	s13 =	simm.s32 $0x200;
	s11 =	smax.u32 s12, $0x1;
	s12 =	simm.s32 $0x2  }
.LBB2_1:
0x10: {  	[tilespmem:s1], [sflag:$0x2] =	stream.linear.gather [hbm4b:s8+s1], $0x200, $0x38;
	[tilespmem:$0x8730] =	vst v63  }
0x11: {  	_ =	swait.ge [sflag:s12], $0x200  }
0x12: {  	[sflag:s12] =	ssyncset.done $0x0  }
0x13: {  	[sflag:s12] =	ssyncadd.s32 $0xFFFFFE00  }
0x14: {  	[tilespmem:s13], [sflag:$0x2] =	stream.linear.gather [hbm4b:s9+s1], $0x200, $0x38;
	[tilespmem:$0x8730] =	vst v63  }
0x15: {  	_ =	swait.ge [sflag:s12], $0x200  }
0x16: {  	[sflag:s12] =	ssyncset.done $0x0  }
0x17: {  	[sflag:s12] =	ssyncadd.s32 $0xFFFFFE00  }
0x18: {  	[tilespmem:s14], [sflag:$0x2] =	stream.linear.gather [hbm4b:s7+s1], $0x30, $0x38;
	[tilespmem:$0x8730] =	vst v63  }
0x19: {  	_ =	swait.ge [sflag:s12], $0x30  }
0x1a: {  	[sflag:s12] =	ssyncset.done $0x0  }
0x1b: {  	[sflag:s12] =	ssyncadd.s32 $0xFFFFFFD0  }
0x1c: {  	[tilespmem:s15], [sflag:$0x1] =	stream.indirect.gather [hbm4b:s2+s13], $0x10, s1, s13, $0xb8;
	[tilespmem:$0x8730] =	vst v63  }
0x1d: {  	_ = 	snop  }
0x1e: {  	[tilespmem:s16], [sflag:$0x1] =	stream.indirect.gather [hbm4b:s4+s13], $0x10, s13, s13, $0xb8;
	[tilespmem:$0x8730] =	vst v63  }
0x1f: {  	_ = 	snop  }
0x20: {  	[tilespmem:s17], [sflag:$0x1] =	stream.indirect.gather [hbm4b:s5+s13], $0x10, s1, s13, $0xb8;
	[tilespmem:$0x8730] =	vst v63  }
0x21: {  	_ = 	snop  }
0x22: {  	[tilespmem:s18], [sflag:$0x1] =	stream.indirect.gather [hbm4b:s6+s13], $0x10, s13, s13, $0xb8;
	[tilespmem:$0x8730] =	vst v63  }
0x23: {  	_ =	swait.ge [sflag:s19], $0x2000  }
0x24: {  	[sflag:s19] =	ssyncset.done $0x0  }
0x25: {  	[sflag:s19] =	ssyncadd.s32 $0xFFFFE000  }
0x26: {  	_ =	swait.ge [sflag:s19], $0x2000  }
0x27: {  	[sflag:s19] =	ssyncset.done $0x0  }
0x28: {  	[sflag:s19] =	ssyncadd.s32 $0xFFFFE000  }
0x29: {  	_ =	swait.ge [sflag:s19], $0x2000  }
0x2a: {  	[sflag:s19] =	ssyncset.done $0x0  }
0x2b: {  	[sflag:s19] =	ssyncadd.s32 $0xFFFFE000  }
0x2c: {  	_ =	swait.ge [sflag:s19], $0x2000  }
0x2d: {  	[sflag:s19] =	ssyncset.done $0x0  }
0x2e: {  	s23 =	simm.s32 $0x0;
	[sflag:s19] =	ssyncadd.s32 $0xFFFFE000  }
0x2f: {  	v18 =	vld [tilespmem:s23+$0x6400]  }
0x30: {  	v19 =	vld [tilespmem:s23+$0x400]  }
0x31: {  	v20 =	vld [tilespmem:s23+$0x4400]  }
0x32: {  	v21 =	vld [tilespmem:s23+$0x2400]  }
0x33: {  	v16 =	vld [tilespmem:$0x8400]  }
0x34: {  	v17 =	vld [tilespmem:$0x8410];
	_ =	sdelay $0x2  }
0x35: {  	v18 =	vmul.f32 v18, v20;
	v19 =	vmul.f32 v21, v19;
	_ =	sdelay $0x1  }
0x36: {  	v18 =	vmul.f32 v18, v17;
	v19 =	vmul.f32 v19, v16;
	_ =	sdelay $0x1  }
0x37: {  	v18 =	vadd.f32 v18, v19;
	_ =	sdelay $0x1  }
0x38: {  	[tilespmem:$0x8430] =	vst v18  }
0x39: {  	v18 =	vld [tilespmem:s23+$0x410]  }
0x3a: {  	v19 =	vld [tilespmem:s23+$0x6410]  }
0x3b: {  	v20 =	vld [tilespmem:s23+$0x2410]  }
0x3c: {  	v21 =	vld [tilespmem:s23+$0x4410];
	_ =	sdelay $0x4  }
0x3d: {  	v18 =	vmul.f32 v20, v18;
	v19 =	vmul.f32 v19, v21;
	_ =	sdelay $0x1  }
0x3e: {  	v18 =	vmul.f32 v18, v16;
	v19 =	vmul.f32 v19, v17;
	_ =	sdelay $0x1  }
0x3f: {  	v18 =	vadd.f32 v19, v18;
	_ =	sdelay $0x1  }
0x40: {  	[tilespmem:$0x8440] =	vst v18  }
0x41: {  	v18 =	vld [tilespmem:s23+$0x4420]  }
0x42: {  	v19 =	vld [tilespmem:s23+$0x2420]  }
0x43: {  	v20 =	vld [tilespmem:s23+$0x420]  }
0x44: {  	v21 =	vld [tilespmem:s23+$0x6420];
	_ =	sdelay $0x4  }
0x45: {  	v19 =	vmul.f32 v19, v20;
	v18 =	vmul.f32 v21, v18;
	_ =	sdelay $0x1  }
0x46: {  	v19 =	vmul.f32 v19, v16;
	v18 =	vmul.f32 v18, v17;
	_ =	sdelay $0x1  }
0x47: {  	v18 =	vadd.f32 v18, v19;
	_ =	sdelay $0x1  }
0x48: {  	[tilespmem:$0x8450] =	vst v18  }
0x49: {  	v18 =	vld [tilespmem:s23+$0x4430]  }
0x4a: {  	v19 =	vld [tilespmem:s23+$0x2430]  }
0x4b: {  	v20 =	vld [tilespmem:s23+$0x430]  }
0x4c: {  	v21 =	vld [tilespmem:s23+$0x6430];
	_ =	sdelay $0x4  }
0x4d: {  	v19 =	vmul.f32 v19, v20;
	v18 =	vmul.f32 v21, v18;
	_ =	sdelay $0x1  }
0x4e: {  	v19 =	vmul.f32 v19, v16;
	v18 =	vmul.f32 v18, v17;
	_ =	sdelay $0x1  }
0x4f: {  	v18 =	vadd.f32 v18, v19;
	_ =	sdelay $0x1  }
0x50: {  	[tilespmem:$0x8460] =	vst v18  }
0x51: {  	v18 =	vld [tilespmem:s23+$0x4440]  }
0x52: {  	v19 =	vld [tilespmem:s23+$0x2440]  }
0x53: {  	v20 =	vld [tilespmem:s23+$0x440]  }
0x54: {  	v21 =	vld [tilespmem:s23+$0x6440];
	_ =	sdelay $0x4  }
0x55: {  	v19 =	vmul.f32 v19, v20;
	v18 =	vmul.f32 v21, v18;
	_ =	sdelay $0x1  }
0x56: {  	v19 =	vmul.f32 v19, v16;
	v18 =	vmul.f32 v18, v17;
	_ =	sdelay $0x1  }
0x57: {  	v18 =	vadd.f32 v18, v19;
	_ =	sdelay $0x1  }
0x58: {  	[tilespmem:$0x8470] =	vst v18  }
0x59: {  	v18 =	vld [tilespmem:s23+$0x4450]  }
0x5a: {  	v19 =	vld [tilespmem:s23+$0x2450]  }
0x5b: {  	v20 =	vld [tilespmem:s23+$0x450]  }
0x5c: {  	v21 =	vld [tilespmem:s23+$0x6450];
	_ =	sdelay $0x4  }
0x5d: {  	v19 =	vmul.f32 v19, v20;
	v18 =	vmul.f32 v21, v18;
	_ =	sdelay $0x1  }
0x5e: {  	v19 =	vmul.f32 v19, v16;
	v18 =	vmul.f32 v18, v17;
	_ =	sdelay $0x1  }
0x5f: {  	v18 =	vadd.f32 v18, v19;
	_ =	sdelay $0x1  }
0x60: {  	[tilespmem:$0x8480] =	vst v18  }
0x61: {  	v18 =	vld [tilespmem:s23+$0x6460]  }
0x62: {  	v19 =	vld [tilespmem:s23+$0x460]  }
0x63: {  	v20 =	vld [tilespmem:s23+$0x4460]  }
0x64: {  	v21 =	vld [tilespmem:s23+$0x2460];
	_ =	sdelay $0x4  }
0x65: {  	v18 =	vmul.f32 v18, v20;
	v19 =	vmul.f32 v21, v19;
	_ =	sdelay $0x1  }
0x66: {  	v18 =	vmul.f32 v18, v17;
	v19 =	vmul.f32 v19, v16;
	_ =	sdelay $0x1  }
0x67: {  	v18 =	vadd.f32 v18, v19;
	_ =	sdelay $0x1  }
0x68: {  	[tilespmem:$0x8490] =	vst v18  }
0x69: {  	v18 =	vld [tilespmem:s23+$0x6470]  }
0x6a: {  	v19 =	vld [tilespmem:s23+$0x2470]  }
0x6b: {  	v20 =	vld [tilespmem:s23+$0x470]  }
0x6c: {  	v21 =	vld [tilespmem:s23+$0x4470];
	_ =	sdelay $0x4  }
0x6d: {  	v19 =	vmul.f32 v19, v20;
	v18 =	vmul.f32 v18, v21;
	_ =	sdelay $0x1  }
0x6e: {  	v19 =	vmul.f32 v19, v16;
	v18 =	vmul.f32 v18, v17;
	_ =	sdelay $0x1  }
0x6f: {  	v18 =	vadd.f32 v18, v19;
	_ =	sdelay $0x1  }
0x70: {  	[tilespmem:$0x84A0] =	vst v18  }
0x71: {  	v18 =	vld [tilespmem:s23+$0x4480]  }
0x72: {  	v19 =	vld [tilespmem:s23+$0x2480]  }
0x73: {  	v20 =	vld [tilespmem:s23+$0x480]  }
0x74: {  	v21 =	vld [tilespmem:s23+$0x6480];
	_ =	sdelay $0x4  }
0x75: {  	v19 =	vmul.f32 v19, v20;
	v18 =	vmul.f32 v21, v18;
	_ =	sdelay $0x1  }
0x76: {  	v19 =	vmul.f32 v19, v16;
	v18 =	vmul.f32 v18, v17;
	_ =	sdelay $0x1  }
0x77: {  	v18 =	vadd.f32 v18, v19;
	_ =	sdelay $0x1  }
0x78: {  	[tilespmem:$0x84B0] =	vst v18  }
0x79: {  	v18 =	vld [tilespmem:s23+$0x6490]  }
0x7a: {  	v19 =	vld [tilespmem:s23+$0x2490]  }
0x7b: {  	v20 =	vld [tilespmem:s23+$0x490]  }
0x7c: {  	v21 =	vld [tilespmem:s23+$0x4490];
	_ =	sdelay $0x4  }
0x7d: {  	v19 =	vmul.f32 v19, v20;
	v18 =	vmul.f32 v18, v21;
	_ =	sdelay $0x1  }
0x7e: {  	v19 =	vmul.f32 v19, v16;
	v18 =	vmul.f32 v18, v17;
	_ =	sdelay $0x1  }
0x7f: {  	v18 =	vadd.f32 v18, v19;
	_ =	sdelay $0x1  }
0x80: {  	[tilespmem:$0x84C0] =	vst v18  }
0x81: {  	v18 =	vld [tilespmem:s23+$0x44A0]  }
0x82: {  	v19 =	vld [tilespmem:s23+$0x24A0]  }
0x83: {  	v20 =	vld [tilespmem:s23+$0x4A0]  }
0x84: {  	v21 =	vld [tilespmem:s23+$0x64A0];
	_ =	sdelay $0x4  }
0x85: {  	v19 =	vmul.f32 v19, v20;
	v18 =	vmul.f32 v21, v18;
	_ =	sdelay $0x1  }
0x86: {  	v19 =	vmul.f32 v19, v16;
	v18 =	vmul.f32 v18, v17;
	_ =	sdelay $0x1  }
0x87: {  	v18 =	vadd.f32 v18, v19;
	_ =	sdelay $0x1  }
0x88: {  	[tilespmem:$0x84D0] =	vst v18  }
0x89: {  	v18 =	vld [tilespmem:s23+$0x44B0]  }
0x8a: {  	v19 =	vld [tilespmem:s23+$0x24B0]  }
0x8b: {  	v20 =	vld [tilespmem:s23+$0x4B0]  }
0x8c: {  	v21 =	vld [tilespmem:s23+$0x64B0];
	_ =	sdelay $0x4  }
0x8d: {  	v19 =	vmul.f32 v19, v20;
	v18 =	vmul.f32 v21, v18;
	_ =	sdelay $0x1  }
0x8e: {  	v19 =	vmul.f32 v19, v16;
	v18 =	vmul.f32 v18, v17;
	_ =	sdelay $0x1  }
0x8f: {  	v18 =	vadd.f32 v18, v19;
	_ =	sdelay $0x1  }
0x90: {  	[tilespmem:$0x84E0] =	vst v18  }
0x91: {  	v18 =	vld [tilespmem:s23+$0x64C0]  }
0x92: {  	v19 =	vld [tilespmem:s23+$0x4C0]  }
0x93: {  	v20 =	vld [tilespmem:s23+$0x44C0]  }
0x94: {  	v21 =	vld [tilespmem:s23+$0x24C0];
	_ =	sdelay $0x4  }
0x95: {  	v18 =	vmul.f32 v18, v20;
	v19 =	vmul.f32 v21, v19;
	_ =	sdelay $0x1  }
0x96: {  	v18 =	vmul.f32 v18, v17;
	v19 =	vmul.f32 v19, v16;
	_ =	sdelay $0x1  }
0x97: {  	v18 =	vadd.f32 v18, v19;
	_ =	sdelay $0x1  }
0x98: {  	[tilespmem:$0x84F0] =	vst v18  }
0x99: {  	v18 =	vld [tilespmem:s23+$0x24D0]  }
0x9a: {  	v19 =	vld [tilespmem:s23+$0x64D0]  }
0x9b: {  	v20 =	vld [tilespmem:s23+$0x4D0]  }
0x9c: {  	v21 =	vld [tilespmem:s23+$0x44D0];
	_ =	sdelay $0x4  }
0x9d: {  	v18 =	vmul.f32 v18, v20;
	v19 =	vmul.f32 v19, v21;
	_ =	sdelay $0x1  }
0x9e: {  	v18 =	vmul.f32 v18, v16;
	v19 =	vmul.f32 v19, v17;
	_ =	sdelay $0x1  }
0x9f: {  	v18 =	vadd.f32 v19, v18;
	_ =	sdelay $0x1  }
0xa0: {  	[tilespmem:$0x8500] =	vst v18  }
0xa1: {  	v18 =	vld [tilespmem:s23+$0x24E0]  }
0xa2: {  	v19 =	vld [tilespmem:s23+$0x44E0]  }
0xa3: {  	v20 =	vld [tilespmem:s23+$0x4E0]  }
0xa4: {  	v21 =	vld [tilespmem:s23+$0x64E0];
	_ =	sdelay $0x4  }
0xa5: {  	v18 =	vmul.f32 v18, v20;
	v19 =	vmul.f32 v21, v19;
	_ =	sdelay $0x1  }
0xa6: {  	v18 =	vmul.f32 v18, v16;
	v19 =	vmul.f32 v19, v17;
	_ =	sdelay $0x1  }
0xa7: {  	v19 =	vadd.f32 v19, v18;
	_ =	sdelay $0x1  }
0xa8: {  	v18 =	vld [tilespmem:$0x8420];
	[tilespmem:$0x8510] =	vst v19  }
0xa9: {  	v19 =	vld [tilespmem:s23+$0x4F0]  }
0xaa: {  	v20 =	vld [tilespmem:s23+$0x64F0]  }
0xab: {  	v21 =	vld [tilespmem:s23+$0x24F0]  }
0xac: {  	s24 =	simm.s32 $0x400;
	s25 =	simm.s32 $0x8530;
	v22 =	vld [tilespmem:s23+$0x44F0];
	s23 =	simm.s32 $0x8530  }
.LBB2_2:
0xad: {  	_ = 	snop  }
0xae: {  	p0 =	sne.s32 s24, $0x7C00  }
0xaf: {  	s25 =	sadd.s32 $0x10, s25;
	s26 =	smov.u32 s24;
	s24 =	sadd.s32 $0x400, s24  }
0xb0: {  	v19 =	vmul.f32 v21, v19  }
0xb1: {  	v20 =	vmul.f32 v20, v22  }
0xb2: {  	v19 =	vmul.f32 v19, v16  }
0xb3: {  	v20 =	vmul.f32 v20, v17;
	_ =	sdelay $0x1  }
0xb4: {  	v19 =	vadd.f32 v20, v19;
	_ =	sdelay $0x1  }
0xb5: {  	[tilespmem:$0x8520] =	vst v19  }
0xb6: {  	v19 =	vld.idx.msk [tilespmem:v0+s20+$0x0], $0xffff  }
0xb7: {  	v20 =	vld.idx.msk [tilespmem:v1+s20+$0x0], $0xffff  }
0xb8: {  	v21 =	vld.idx.msk [tilespmem:v2+s20+$0x0], $0xffff  }
0xb9: {  	v22 =	vld.idx.msk [tilespmem:v3+s20+$0x0], $0xffff  }
0xba: {  	v23 =	vld.idx.msk [tilespmem:v4+s20+$0x0], $0xffff  }
0xbb: {  	v24 =	vld.idx.msk [tilespmem:v5+s20+$0x0], $0xffff  }
0xbc: {  	v19 =	vadd.f32 v19, v18;
	v25 =	vld.idx.msk [tilespmem:v6+s20+$0x0], $0xffff  }
0xbd: {  	v26 =	vld.idx.msk [tilespmem:v7+s20+$0x0], $0xffff  }
0xbe: {  	v19 =	vadd.f32 v20, v19;
	v20 =	vld.idx.msk [tilespmem:v8+s20+$0x0], $0xffff  }
0xbf: {  	v27 =	vld.idx.msk [tilespmem:v9+s20+$0x0], $0xffff  }
0xc0: {  	v19 =	vadd.f32 v21, v19;
	v21 =	vld.idx.msk [tilespmem:v10+s20+$0x0], $0xffff  }
0xc1: {  	v28 =	vld.idx.msk [tilespmem:v11+s20+$0x0], $0xffff  }
0xc2: {  	v19 =	vadd.f32 v22, v19;
	v22 =	vld.idx.msk [tilespmem:v12+s20+$0x0], $0xffff  }
0xc3: {  	v29 =	vld.idx.msk [tilespmem:v13+s20+$0x0], $0xffff  }
0xc4: {  	v19 =	vadd.f32 v23, v19;
	v23 =	vld.idx.msk [tilespmem:v14+s20+$0x0], $0xffff  }
0xc5: {  	v30 =	vld.idx.msk [tilespmem:v15+s20+$0x0], $0xffff  }
0xc6: {  	v19 =	vadd.f32 v24, v19;
	_ =	sdelay $0x1  }
0xc7: {  	v19 =	vadd.f32 v25, v19;
	_ =	sdelay $0x1  }
0xc8: {  	v19 =	vadd.f32 v26, v19;
	_ =	sdelay $0x1  }
0xc9: {  	v19 =	vadd.f32 v20, v19;
	_ =	sdelay $0x1  }
0xca: {  	v19 =	vadd.f32 v27, v19;
	_ =	sdelay $0x1  }
0xcb: {  	v19 =	vadd.f32 v21, v19;
	_ =	sdelay $0x1  }
0xcc: {  	v19 =	vadd.f32 v28, v19;
	_ =	sdelay $0x1  }
0xcd: {  	v19 =	vadd.f32 v22, v19;
	_ =	sdelay $0x1  }
0xce: {  	v19 =	vadd.f32 v29, v19;
	_ =	sdelay $0x1  }
0xcf: {  	v19 =	vadd.f32 v23, v19;
	_ =	sdelay $0x1  }
0xd0: {  	v19 =	vadd.f32 v30, v19;
	_ =	sdelay $0x1  }
0xd1: {  	v19 =	vmax.f32 v19, $0.0e+00  }
0xd2: {  	s26 =	sshra.s32 s26, $0x2;
	[tilespmem:s23+$0x0] =	vst v19;
	s23 =	smov.u32 s25  }
0xd3: {  	v19 =	vld [tilespmem:s26+$0x6400]  }
0xd4: {  	v20 =	vld [tilespmem:s26+$0x400]  }
0xd5: {  	v21 =	vld [tilespmem:s26+$0x4400]  }
0xd6: {  	v22 =	vld [tilespmem:s26+$0x2400];
	_ =	sdelay $0x3  }
0xd7: {  	v19 =	vmul.f32 v19, v21  }
0xd8: {  	v20 =	vmul.f32 v22, v20  }
0xd9: {  	v19 =	vmul.f32 v19, v17  }
0xda: {  	v20 =	vmul.f32 v20, v16;
	_ =	sdelay $0x1  }
0xdb: {  	v19 =	vadd.f32 v19, v20;
	_ =	sdelay $0x1  }
0xdc: {  	[tilespmem:$0x8430] =	vst v19  }
0xdd: {  	v19 =	vld [tilespmem:s26+$0x410]  }
0xde: {  	v20 =	vld [tilespmem:s26+$0x6410]  }
0xdf: {  	v21 =	vld [tilespmem:s26+$0x2410]  }
0xe0: {  	v22 =	vld [tilespmem:s26+$0x4410];
	_ =	sdelay $0x3  }
0xe1: {  	v19 =	vmul.f32 v21, v19  }
0xe2: {  	v20 =	vmul.f32 v20, v22;
	_ =	sdelay $0x1  }
0xe3: {  	v19 =	vmul.f32 v19, v16;
	v20 =	vmul.f32 v20, v17;
	_ =	sdelay $0x1  }
0xe4: {  	v19 =	vadd.f32 v20, v19;
	_ =	sdelay $0x1  }
0xe5: {  	[tilespmem:$0x8440] =	vst v19  }
0xe6: {  	v19 =	vld [tilespmem:s26+$0x4420]  }
0xe7: {  	v20 =	vld [tilespmem:s26+$0x2420]  }
0xe8: {  	v21 =	vld [tilespmem:s26+$0x420]  }
0xe9: {  	v22 =	vld [tilespmem:s26+$0x6420];
	_ =	sdelay $0x3  }
0xea: {  	v20 =	vmul.f32 v20, v21  }
0xeb: {  	v19 =	vmul.f32 v22, v19;
	_ =	sdelay $0x1  }
0xec: {  	v20 =	vmul.f32 v20, v16;
	v19 =	vmul.f32 v19, v17;
	_ =	sdelay $0x1  }
0xed: {  	v19 =	vadd.f32 v19, v20;
	_ =	sdelay $0x1  }
0xee: {  	[tilespmem:$0x8450] =	vst v19  }
0xef: {  	v19 =	vld [tilespmem:s26+$0x4430]  }
0xf0: {  	v20 =	vld [tilespmem:s26+$0x2430]  }
0xf1: {  	v21 =	vld [tilespmem:s26+$0x430]  }
0xf2: {  	v22 =	vld [tilespmem:s26+$0x6430];
	_ =	sdelay $0x3  }
0xf3: {  	v20 =	vmul.f32 v20, v21  }
0xf4: {  	v19 =	vmul.f32 v22, v19;
	_ =	sdelay $0x1  }
0xf5: {  	v20 =	vmul.f32 v20, v16;
	v19 =	vmul.f32 v19, v17;
	_ =	sdelay $0x1  }
0xf6: {  	v19 =	vadd.f32 v19, v20;
	_ =	sdelay $0x1  }
0xf7: {  	[tilespmem:$0x8460] =	vst v19  }
0xf8: {  	v19 =	vld [tilespmem:s26+$0x4440]  }
0xf9: {  	v20 =	vld [tilespmem:s26+$0x2440]  }
0xfa: {  	v21 =	vld [tilespmem:s26+$0x440]  }
0xfb: {  	v22 =	vld [tilespmem:s26+$0x6440];
	_ =	sdelay $0x3  }
0xfc: {  	v20 =	vmul.f32 v20, v21  }
0xfd: {  	v19 =	vmul.f32 v22, v19;
	_ =	sdelay $0x1  }
0xfe: {  	v20 =	vmul.f32 v20, v16;
	v19 =	vmul.f32 v19, v17;
	_ =	sdelay $0x1  }
0xff: {  	v19 =	vadd.f32 v19, v20;
	_ =	sdelay $0x1  }
0x100: {  	[tilespmem:$0x8470] =	vst v19  }
0x101: {  	v19 =	vld [tilespmem:s26+$0x4450]  }
0x102: {  	v20 =	vld [tilespmem:s26+$0x2450]  }
0x103: {  	v21 =	vld [tilespmem:s26+$0x450]  }
0x104: {  	v22 =	vld [tilespmem:s26+$0x6450];
	_ =	sdelay $0x3  }
0x105: {  	v20 =	vmul.f32 v20, v21  }
0x106: {  	v19 =	vmul.f32 v22, v19;
	_ =	sdelay $0x1  }
0x107: {  	v20 =	vmul.f32 v20, v16;
	v19 =	vmul.f32 v19, v17;
	_ =	sdelay $0x1  }
0x108: {  	v19 =	vadd.f32 v19, v20;
	_ =	sdelay $0x1  }
0x109: {  	[tilespmem:$0x8480] =	vst v19  }
0x10a: {  	v19 =	vld [tilespmem:s26+$0x6460]  }
0x10b: {  	v20 =	vld [tilespmem:s26+$0x460]  }
0x10c: {  	v21 =	vld [tilespmem:s26+$0x4460]  }
0x10d: {  	v22 =	vld [tilespmem:s26+$0x2460];
	_ =	sdelay $0x3  }
0x10e: {  	v19 =	vmul.f32 v19, v21  }
0x10f: {  	v20 =	vmul.f32 v22, v20  }
0x110: {  	v19 =	vmul.f32 v19, v17  }
0x111: {  	v20 =	vmul.f32 v20, v16;
	_ =	sdelay $0x1  }
0x112: {  	v19 =	vadd.f32 v19, v20;
	_ =	sdelay $0x1  }
0x113: {  	[tilespmem:$0x8490] =	vst v19  }
0x114: {  	v19 =	vld [tilespmem:s26+$0x6470]  }
0x115: {  	v20 =	vld [tilespmem:s26+$0x2470]  }
0x116: {  	v21 =	vld [tilespmem:s26+$0x470]  }
0x117: {  	v22 =	vld [tilespmem:s26+$0x4470];
	_ =	sdelay $0x3  }
0x118: {  	v20 =	vmul.f32 v20, v21  }
0x119: {  	v19 =	vmul.f32 v19, v22;
	_ =	sdelay $0x1  }
0x11a: {  	v20 =	vmul.f32 v20, v16;
	v19 =	vmul.f32 v19, v17;
	_ =	sdelay $0x1  }
0x11b: {  	v19 =	vadd.f32 v19, v20;
	_ =	sdelay $0x1  }
0x11c: {  	[tilespmem:$0x84A0] =	vst v19  }
0x11d: {  	v19 =	vld [tilespmem:s26+$0x4480]  }
0x11e: {  	v20 =	vld [tilespmem:s26+$0x2480]  }
0x11f: {  	v21 =	vld [tilespmem:s26+$0x480]  }
0x120: {  	v22 =	vld [tilespmem:s26+$0x6480];
	_ =	sdelay $0x3  }
0x121: {  	v20 =	vmul.f32 v20, v21  }
0x122: {  	v19 =	vmul.f32 v22, v19;
	_ =	sdelay $0x1  }
0x123: {  	v20 =	vmul.f32 v20, v16;
	v19 =	vmul.f32 v19, v17;
	_ =	sdelay $0x1  }
0x124: {  	v19 =	vadd.f32 v19, v20;
	_ =	sdelay $0x1  }
0x125: {  	[tilespmem:$0x84B0] =	vst v19  }
0x126: {  	v19 =	vld [tilespmem:s26+$0x6490]  }
0x127: {  	v20 =	vld [tilespmem:s26+$0x2490]  }
0x128: {  	v21 =	vld [tilespmem:s26+$0x490]  }
0x129: {  	v22 =	vld [tilespmem:s26+$0x4490];
	_ =	sdelay $0x3  }
0x12a: {  	v20 =	vmul.f32 v20, v21  }
0x12b: {  	v19 =	vmul.f32 v19, v22;
	_ =	sdelay $0x1  }
0x12c: {  	v20 =	vmul.f32 v20, v16;
	v19 =	vmul.f32 v19, v17;
	_ =	sdelay $0x1  }
0x12d: {  	v19 =	vadd.f32 v19, v20;
	_ =	sdelay $0x1  }
0x12e: {  	[tilespmem:$0x84C0] =	vst v19  }
0x12f: {  	v19 =	vld [tilespmem:s26+$0x44A0]  }
0x130: {  	v20 =	vld [tilespmem:s26+$0x24A0]  }
0x131: {  	v21 =	vld [tilespmem:s26+$0x4A0]  }
0x132: {  	v22 =	vld [tilespmem:s26+$0x64A0];
	_ =	sdelay $0x3  }
0x133: {  	v20 =	vmul.f32 v20, v21  }
0x134: {  	v19 =	vmul.f32 v22, v19;
	_ =	sdelay $0x1  }
0x135: {  	v20 =	vmul.f32 v20, v16;
	v19 =	vmul.f32 v19, v17;
	_ =	sdelay $0x1  }
0x136: {  	v19 =	vadd.f32 v19, v20;
	_ =	sdelay $0x1  }
0x137: {  	[tilespmem:$0x84D0] =	vst v19  }
0x138: {  	v19 =	vld [tilespmem:s26+$0x44B0]  }
0x139: {  	v20 =	vld [tilespmem:s26+$0x24B0]  }
0x13a: {  	v21 =	vld [tilespmem:s26+$0x4B0]  }
0x13b: {  	v22 =	vld [tilespmem:s26+$0x64B0];
	_ =	sdelay $0x3  }
0x13c: {  	v20 =	vmul.f32 v20, v21  }
0x13d: {  	v19 =	vmul.f32 v22, v19;
	_ =	sdelay $0x1  }
0x13e: {  	v20 =	vmul.f32 v20, v16;
	v19 =	vmul.f32 v19, v17;
	_ =	sdelay $0x1  }
0x13f: {  	v19 =	vadd.f32 v19, v20;
	_ =	sdelay $0x1  }
0x140: {  	[tilespmem:$0x84E0] =	vst v19  }
0x141: {  	v19 =	vld [tilespmem:s26+$0x64C0]  }
0x142: {  	v20 =	vld [tilespmem:s26+$0x4C0]  }
0x143: {  	v21 =	vld [tilespmem:s26+$0x44C0]  }
0x144: {  	v22 =	vld [tilespmem:s26+$0x24C0];
	_ =	sdelay $0x3  }
0x145: {  	v19 =	vmul.f32 v19, v21  }
0x146: {  	v20 =	vmul.f32 v22, v20  }
0x147: {  	v19 =	vmul.f32 v19, v17  }
0x148: {  	v20 =	vmul.f32 v20, v16;
	_ =	sdelay $0x1  }
0x149: {  	v19 =	vadd.f32 v19, v20;
	_ =	sdelay $0x1  }
0x14a: {  	[tilespmem:$0x84F0] =	vst v19  }
0x14b: {  	v19 =	vld [tilespmem:s26+$0x24D0]  }
0x14c: {  	v20 =	vld [tilespmem:s26+$0x64D0]  }
0x14d: {  	v21 =	vld [tilespmem:s26+$0x4D0]  }
0x14e: {  	v22 =	vld [tilespmem:s26+$0x44D0];
	_ =	sdelay $0x3  }
0x14f: {  	v19 =	vmul.f32 v19, v21  }
0x150: {  	v20 =	vmul.f32 v20, v22;
	_ =	sdelay $0x1  }
0x151: {  	v19 =	vmul.f32 v19, v16;
	v20 =	vmul.f32 v20, v17;
	_ =	sdelay $0x1  }
0x152: {  	v19 =	vadd.f32 v20, v19;
	_ =	sdelay $0x1  }
0x153: {  	[tilespmem:$0x8500] =	vst v19  }
0x154: {  	v19 =	vld [tilespmem:s26+$0x24E0]  }
0x155: {  	v20 =	vld [tilespmem:s26+$0x44E0]  }
0x156: {  	v21 =	vld [tilespmem:s26+$0x4E0]  }
0x157: {  	v22 =	vld [tilespmem:s26+$0x64E0];
	_ =	sdelay $0x3  }
0x158: {  	v19 =	vmul.f32 v19, v21  }
0x159: {  	v20 =	vmul.f32 v22, v20;
	_ =	sdelay $0x1  }
0x15a: {  	v19 =	vmul.f32 v19, v16;
	v20 =	vmul.f32 v20, v17;
	_ =	sdelay $0x1  }
0x15b: {  	v19 =	vadd.f32 v20, v19;
	_ =	sdelay $0x1  }
.Ltmp0:
0x15c: {  	[tilespmem:$0x8510] =	vst v19;
	(pc) =	sbr.rel @p0 .LBB2_2-.Ltmp0, $4  }
0x15d: {  	v19 =	vld [tilespmem:s26+$0x4F0]  }
0x15e: {  	v20 =	vld [tilespmem:s26+$0x64F0]  }
0x15f: {  	v21 =	vld [tilespmem:s26+$0x24F0]  }
0x160: {  	v22 =	vld [tilespmem:s26+$0x44F0]  }
0x161: {  	_ =	sdelay $0x3  }
0x162: {  	v19 =	vmul.f32 v21, v19;
	v20 =	vmul.f32 v20, v22;
	_ =	sdelay $0x1  }
0x163: {  	v16 =	vmul.f32 v19, v16;
	v17 =	vmul.f32 v20, v17;
	_ =	sdelay $0x1  }
0x164: {  	v16 =	vadd.f32 v17, v16;
	_ =	sdelay $0x1  }
0x165: {  	[tilespmem:$0x8520] =	vst v16  }
0x166: {  	v16 =	vld.idx.msk [tilespmem:v0+s20+$0x0], $0xffff;
	_ =	sdelay $0x1  }
0x167: {  	v17 =	vld.idx.msk [tilespmem:v1+s20+$0x0], $0xffff;
	_ =	sdelay $0x1  }
0x168: {  	v54 =	vld.idx.msk [tilespmem:v2+s20+$0x0], $0xffff  }
0x169: {  	v16 =	vadd.f32 v16, v18  }
0x16a: {  	v55 =	vld.idx.msk [tilespmem:v3+s20+$0x0], $0xffff  }
0x16b: {  	v16 =	vadd.f32 v17, v16  }
0x16c: {  	v17 =	vld.idx.msk [tilespmem:v4+s20+$0x0], $0xffff  }
0x16d: {  	v16 =	vadd.f32 v54, v16  }
0x16e: {  	v56 =	vld.idx.msk [tilespmem:v5+s20+$0x0], $0xffff  }
0x16f: {  	v16 =	vadd.f32 v55, v16  }
0x170: {  	v57 =	vld.idx.msk [tilespmem:v6+s20+$0x0], $0xffff  }
0x171: {  	v16 =	vadd.f32 v17, v16  }
0x172: {  	v17 =	vld.idx.msk [tilespmem:v7+s20+$0x0], $0xffff  }
0x173: {  	v16 =	vadd.f32 v56, v16  }
0x174: {  	v58 =	vld.idx.msk [tilespmem:v8+s20+$0x0], $0xffff  }
0x175: {  	v16 =	vadd.f32 v57, v16  }
0x176: {  	v59 =	vld.idx.msk [tilespmem:v9+s20+$0x0], $0xffff  }
0x177: {  	v16 =	vadd.f32 v17, v16  }
0x178: {  	v17 =	vld.idx.msk [tilespmem:v10+s20+$0x0], $0xffff  }
0x179: {  	v16 =	vadd.f32 v58, v16  }
0x17a: {  	v60 =	vld.idx.msk [tilespmem:v11+s20+$0x0], $0xffff  }
0x17b: {  	v16 =	vadd.f32 v59, v16  }
0x17c: {  	v61 =	vld.idx.msk [tilespmem:v12+s20+$0x0], $0xffff  }
0x17d: {  	v16 =	vadd.f32 v17, v16  }
0x17e: {  	v17 =	vld.idx.msk [tilespmem:v13+s20+$0x0], $0xffff  }
0x17f: {  	v16 =	vadd.f32 v60, v16  }
0x180: {  	v62 =	vld.idx.msk [tilespmem:v14+s20+$0x0], $0xffff  }
0x181: {  	v16 =	vadd.f32 v61, v16  }
0x182: {  	v63 =	vld.idx.msk [tilespmem:v15+s20+$0x0], $0xffff  }
0x183: {  	v16 =	vadd.f32 v17, v16;
	_ =	sdelay $0x1  }
0x184: {  	v16 =	vadd.f32 v62, v16;
	_ =	sdelay $0x1  }
0x185: {  	v16 =	vadd.f32 v63, v16  }
0x186: {  	s22 =	sadd.s32 $0x1, s22  }
0x187: {  	p0 =	sne.s32 s22, s11;
	v16 =	vmax.f32 v16, $0.0e+00  }
.Ltmp1:
0x188: {  	[tilespmem:s23+$0x0] =	vst v16;
	(pc) =	sbr.rel @p0 .LBB2_1-.Ltmp1, $4  }
0x189: {  	[hbm4b:s10+s1] =	stream.linear.scatter [tilespmem:s21], [sflag:$0x2], $0x200, $0x38;
	[tilespmem:$0x8730] =	vst v63  }
0x18a: {  	_ =	swait.ge [sflag:s12], $0x200  }
0x18b: {  	[sflag:s12] =	ssyncset.done $0x0  }
0x18c: {  	[sflag:s12] =	ssyncadd.s32 $0xFFFFFE00  }
0x18d: {  	_ =	sfence.sel $0x180000  }
0x18e: {  	[bflag:$0x0] =	sbarrier.arrive $0xFFFF  }
0x18f: {  	p0 =	sne.s32 s3, $0x0;
	_ =	strace $0x90000047  }
0x190: {  	s0 =	sadd.s32 @!p0 $0x100000, s0;
	[bflag:$0x2] =	sbarrier.arrive $0xFFFF  }
0x191: {  	[sflag:s0] =	ssyncadd.tile.s32 @!p0 $0x1;
	_ =	shalt  }
.Lfunc_end2:
_tile_overlayer_lowered:
.L_overlay_start_2:
0x192: {  	(tag) =	ssettag $0x2  }
0x193: {  	s0 =	rddreg [dreg:$0x0];
	s2 =	stileid.u32  }
0x194: {  	s1 =	rddreg [dreg:$0x1];
	p0 =	sne.s32 s2, $0x0  }
0x195: {  	s3 =	rddreg [dreg:$0x2];
	[bflag:$0x3] =	sbarrier.arrive $0xFFFF;
	s2 =	simm.s32 @!p0 $0x1C02  }
0x196: {  	[timem:s3], [sflag:s2] =	dma.local @!p0 [hbm:s0], s1  }
0x197: {  	s0 =	simm.s32 @!p0 $0x2  }
0x198: {  	_ =	swait.ge @!p0 [sflag:s0], s1  }
0x199: {  	s1 =	ssub.s32 @!p0 $0x0, s1;
	[sflag:s0] =	ssyncset.done @!p0 $0x0  }
0x19a: {  	[sflag:s0] =	ssyncadd.s32 @!p0 s1  }
0x19b: {  	[bflag:$0x3] =	sbarrier.arrive $0xFFFF  }
0x19c: {  	_ =	shalt  }

</sc_bundles>
